<compile_context>
chip_gen: v7x
topology: tpu7x:2x2x1
jax: 0.10.2.dev20260603
libtpu: 0.0.44.dev20260713+nightly
codegen_flags: <defaults>
</compile_context>

<pallas_src>
import jax
import jax.numpy as jnp
from jax import lax
from jax.experimental import pallas as pl
from jax.experimental.pallas import tpu as pltpu
from jax.experimental.pallas import tpu_sc as plsc

NC, NS = 2, 16
NW = NC * NS
R = 16


def _body(table_hbm, idx_hbm, out_hbm,
          idx0, idx1, rows0, rows1,
          isem0, isem1, gsem0, gsem1, ssem0, ssem1):
    idx_v = (idx0, idx1)
    rows_v = (rows0, rows1)
    isem = (isem0, isem1)
    gsem = (gsem0, gsem1)
    ssem = (ssem0, ssem1)

    wid = lax.axis_index("s") * NC + lax.axis_index("c")
    n_rows = idx_hbm.shape[0]
    rows_per_w = n_rows // NW
    chunks = rows_per_w // R
    base_row = wid * rows_per_w

    def ld_idx(c, b):
        pltpu.async_copy(idx_hbm.at[pl.ds(base_row + c * R, R)],
                         idx_v[b], isem[b])

    def wait_idx(b):
        pltpu.make_async_copy(idx_hbm.at[pl.ds(0, R)], idx_v[b],
                              isem[b]).wait()

    def fire_gathers(b):
        for rr in range(R):
            pltpu.async_copy(table_hbm.at[idx_v[b].at[rr]],
                             rows_v[b].at[rr], gsem[b])

    def wait_gathers(b):
        pltpu.make_async_copy(out_hbm.at[pl.ds(0, R)], rows_v[b],
                              gsem[b]).wait()

    def st_rows(c, b):
        pltpu.async_copy(rows_v[b], out_hbm.at[pl.ds(base_row + c * R, R)],
                         ssem[b])

    def wait_store(b):
        pltpu.make_async_copy(rows_v[b], out_hbm.at[pl.ds(0, R)],
                              ssem[b]).wait()

    ld_idx(0, 0)
    ld_idx(1, 1)
    wait_idx(0)
    fire_gathers(0)
    wait_idx(1)
    fire_gathers(1)
    wait_gathers(0)
    st_rows(0, 0)
    ld_idx(2, 0)

    def step(c, b):
        wait_idx(b)
        wait_store(b)
        fire_gathers(b)
        wait_gathers(1 - b)
        st_rows(c - 1, 1 - b)
        ld_idx(jnp.minimum(c + 1, chunks - 1), 1 - b)

    def pair(q, carry):
        c0 = 2 + 2 * q
        step(c0, 0)
        step(c0 + 1, 1)
        return carry

    lax.fori_loop(0, (chunks - 2) // 2, pair, 0)

    wait_gathers(1)
    st_rows(chunks - 1, 1)
    wait_idx(0)
    wait_store(0)
    wait_store(1)


@jax.jit
def kernel(glyph_ids, weight):
    S0, S1 = glyph_ids.shape
    D = weight.shape[1]
    if glyph_ids.dtype != jnp.int32:
        glyph_ids = glyph_ids.astype(jnp.int32)
    mesh = plsc.VectorSubcoreMesh(
        core_axis_name="c", subcore_axis_name="s",
        num_cores=NC, num_subcores=NS,
    )
    return pl.kernel(
        _body,
        out_type=jax.ShapeDtypeStruct((S0, S1, D), jnp.float32),
        mesh=mesh,
        scratch_types=[
            pltpu.VMEM((R, S1), jnp.int32),
            pltpu.VMEM((R, S1), jnp.int32),
            pltpu.VMEM((R, S1, D), jnp.float32),
            pltpu.VMEM((R, S1, D), jnp.float32),
            pltpu.SemaphoreType.DMA,
            pltpu.SemaphoreType.DMA,
            pltpu.SemaphoreType.DMA,
            pltpu.SemaphoreType.DMA,
            pltpu.SemaphoreType.DMA,
            pltpu.SemaphoreType.DMA,
        ],
        compiler_params=pltpu.CompilerParams(use_tc_tiling_on_sc=False),
    )(weight, glyph_ids)

# --- scband reference (transcript-rebuilt; emitter-appended) ---
"""Pipeline reference for scband-glyph-embedding-40759239639797 (READ-ONLY COPY).

The authoritative reference and input builder live on the scoring server;
editing this copy changes nothing except your own understanding.
"""

import jax, jax.numpy as jnp
import numpy as np

VOCAB = 1000000
EMBED_DIM = 32

def setup_inputs(seed: int = 0) -> dict:
    key = jax.random.key(seed)
    k1, k2 = jax.random.split(key)
    glyph_ids = jax.random.randint(k1, (16384, 50), 0, VOCAB, dtype=jnp.int64) if jax.config.jax_enable_x64 else jax.random.randint(k1, (16384, 50), 0, VOCAB, dtype=jnp.int32)
    weight = jax.random.normal(k2, (VOCAB, EMBED_DIM), dtype=jnp.float32) * 0.02
    return {"glyph_ids": glyph_ids, "weight": weight}

def reference(glyph_ids, weight):
    # nn.Embedding lookup: table[idx]
    return jnp.take(weight, glyph_ids, axis=0)

if __name__ == "__main__":
    import jax
    _d = setup_inputs()
    print(jax.jit(kernel)(*tuple(_d.values())))

</pallas_src>

<mosaic_0001>
#map = affine_map<(d0, d1) -> (0, 0)>
#map1 = affine_map<(d0, d1) -> (0, 0, 0)>
module attributes {stable_mosaic.version = 14 : i64} {
  func.func @_body(%arg0: i32, %arg1: i32, %arg2: memref<1000000x32xf32, #tpu.memory_space<hbm>>, %arg3: memref<16384x50xi32, #tpu.memory_space<hbm>>, %arg4: memref<16384x50x32xf32, #tpu.memory_space<hbm>>, %arg5: memref<16x50xi32, #tpu.memory_space<vmem>>, %arg6: memref<16x50xi32, #tpu.memory_space<vmem>>, %arg7: memref<16x50x32xf32, #tpu.memory_space<vmem>>, %arg8: memref<16x50x32xf32, #tpu.memory_space<vmem>>, %arg9: memref<!tpu.dma_semaphore, #tpu.memory_space<semaphore_mem>>, %arg10: memref<!tpu.dma_semaphore, #tpu.memory_space<semaphore_mem>>, %arg11: memref<!tpu.dma_semaphore, #tpu.memory_space<semaphore_mem>>, %arg12: memref<!tpu.dma_semaphore, #tpu.memory_space<semaphore_mem>>, %arg13: memref<!tpu.dma_semaphore, #tpu.memory_space<semaphore_mem>>, %arg14: memref<!tpu.dma_semaphore, #tpu.memory_space<semaphore_mem>>) attributes {dimension_semantics = [#tpu.dimension_semantics<core_parallel>, #tpu.dimension_semantics<subcore_parallel>], iteration_bounds = array<i64: 2, 16>, scalar_prefetch = 0 : i64, scratch_operands = 10 : i64, tpu.core_type = #tpu.core_type<sc_vector_subcore>, window_params = [{transform_indices = #map}, {transform_indices = #map}, {transform_indices = #map1}]} {
    %mul3A = arith.constant 2 : i32
    %mul3A_0 = arith.muli %arg1, %mul3A : i32
    %add3A = arith.addi %mul3A_0, %arg0 : i32
    %mul3A_1 = arith.constant 512 : i32
    %mul3A_2 = arith.muli %add3A, %mul3A_1 : i32
    %add3A_3 = arith.constant 0 : i32
    %add3A_4 = arith.addi %mul3A_2, %add3A_3 : i32
    %dma_start3A = arith.constant 0 : i32
    %dma_start3A_5 = tpu.memref_slice %arg3[%add3A_4, %dma_start3A] : memref<16384x50xi32, #tpu.memory_space<hbm>> -> memref<16x50xi32, #tpu.memory_space<hbm>>
    %dma_start3A_6 = arith.constant 0 : i32
    %dma_start3A_7 = tpu.memref_slice %arg3[%add3A_4, %dma_start3A_6] : memref<16384x50xi32, #tpu.memory_space<hbm>> -> memref<16x50xi32, #tpu.memory_space<hbm>>
    tpu.enqueue_dma source(%dma_start3A_7 : memref<16x50xi32, #tpu.memory_space<hbm>>) target(%arg5 : memref<16x50xi32, #tpu.memory_space<vmem>>) target_semaphore(%arg9 : memref<!tpu.dma_semaphore, #tpu.memory_space<semaphore_mem>>)
    %add3A_8 = arith.constant 16 : i32
    %add3A_9 = arith.addi %mul3A_2, %add3A_8 : i32
    %dma_start3A_10 = arith.constant 0 : i32
    %dma_start3A_11 = tpu.memref_slice %arg3[%add3A_9, %dma_start3A_10] : memref<16384x50xi32, #tpu.memory_space<hbm>> -> memref<16x50xi32, #tpu.memory_space<hbm>>
    %dma_start3A_12 = arith.constant 0 : i32
    %dma_start3A_13 = tpu.memref_slice %arg3[%add3A_9, %dma_start3A_12] : memref<16384x50xi32, #tpu.memory_space<hbm>> -> memref<16x50xi32, #tpu.memory_space<hbm>>
    tpu.enqueue_dma source(%dma_start3A_13 : memref<16x50xi32, #tpu.memory_space<hbm>>) target(%arg6 : memref<16x50xi32, #tpu.memory_space<vmem>>) target_semaphore(%arg10 : memref<!tpu.dma_semaphore, #tpu.memory_space<semaphore_mem>>)
    %dma_wait3A = arith.constant 0 : i32
    %dma_wait3A_14 = arith.constant 0 : i32
    %dma_wait3A_15 = tpu.memref_slice %arg3[%dma_wait3A, %dma_wait3A_14] : memref<16384x50xi32, #tpu.memory_space<hbm>> -> memref<16x50xi32, #tpu.memory_space<hbm>>
    %dma_wait3A_16 = arith.constant 0 : i32
    %dma_wait3A_17 = arith.constant 0 : i32
    %dma_wait3A_18 = tpu.memref_slice %arg3[%dma_wait3A_16, %dma_wait3A_17] : memref<16384x50xi32, #tpu.memory_space<hbm>> -> memref<16x50xi32, #tpu.memory_space<hbm>>
    tpu.wait_dma2 semaphore(%arg9 : memref<!tpu.dma_semaphore, #tpu.memory_space<semaphore_mem>>) src(%dma_wait3A_18 : memref<16x50xi32, #tpu.memory_space<hbm>>) dst(%arg5 : memref<16x50xi32, #tpu.memory_space<vmem>>)
    %dma_start3A_19 = arith.constant 0 : i32
    %dma_start3A_20 = arith.constant 0 : i32
    %dma_start3A_21 = arith.constant 0 : i32
    %dma_start3A_22 = arith.constant 0 : i32
    %dma_start3A_23 = tpu.memref_slice %arg7[%dma_start3A_20, %dma_start3A_21, %dma_start3A_22] : memref<16x50x32xf32, #tpu.memory_space<vmem>> -> memref<1x50x32xf32, #tpu.memory_space<vmem>>
    %dma_start3A_24 = tpu.memref_squeeze %dma_start3A_23 : memref<1x50x32xf32, #tpu.memory_space<vmem>> -> memref<50x32xf32, #tpu.memory_space<vmem>>
    %dma_start3A_25 = arith.constant 0 : i32
    %dma_start3A_26 = tpu.memref_slice %arg5[%dma_start3A_19, %dma_start3A_25] : memref<16x50xi32, #tpu.memory_space<vmem>> -> memref<1x50xi32, #tpu.memory_space<vmem>>
    %dma_start3A_27 = tpu.memref_squeeze %dma_start3A_26 : memref<1x50xi32, #tpu.memory_space<vmem>> -> memref<50xi32, #tpu.memory_space<vmem>>
    %dma_start3A_28 = arith.constant 0 : i32
    %dma_start3A_29 = arith.constant 0 : i32
    %dma_start3A_30 = tpu.memref_slice %arg2[%dma_start3A_28, %dma_start3A_29] : memref<1000000x32xf32, #tpu.memory_space<hbm>> -> memref<1000000x32xf32, #tpu.memory_space<hbm>>
    tpu.enqueue_indirect_dma source(%dma_start3A_30 : memref<1000000x32xf32, #tpu.memory_space<hbm>>) target(%dma_start3A_24 : memref<50x32xf32, #tpu.memory_space<vmem>>) offsets(%dma_start3A_27 : memref<50xi32, #tpu.memory_space<vmem>>) semaphore(%arg11 : memref<!tpu.dma_semaphore, #tpu.memory_space<semaphore_mem>>)
    %dma_start3A_31 = arith.constant 1 : i32
    %dma_start3A_32 = arith.constant 1 : i32
    %dma_start3A_33 = arith.constant 0 : i32
    %dma_start3A_34 = arith.constant 0 : i32
    %dma_start3A_35 = tpu.memref_slice %arg7[%dma_start3A_32, %dma_start3A_33, %dma_start3A_34] : memref<16x50x32xf32, #tpu.memory_space<vmem>> -> memref<1x50x32xf32, #tpu.memory_space<vmem>>
    %dma_start3A_36 = tpu.memref_squeeze %dma_start3A_35 : memref<1x50x32xf32, #tpu.memory_space<vmem>> -> memref<50x32xf32, #tpu.memory_space<vmem>>
    %dma_start3A_37 = arith.constant 0 : i32
    %dma_start3A_38 = tpu.memref_slice %arg5[%dma_start3A_31, %dma_start3A_37] : memref<16x50xi32, #tpu.memory_space<vmem>> -> memref<1x50xi32, #tpu.memory_space<vmem>>
    %dma_start3A_39 = tpu.memref_squeeze %dma_start3A_38 : memref<1x50xi32, #tpu.memory_space<vmem>> -> memref<50xi32, #tpu.memory_space<vmem>>
    %dma_start3A_40 = arith.constant 0 : i32
    %dma_start3A_41 = arith.constant 0 : i32
    %dma_start3A_42 = tpu.memref_slice %arg2[%dma_start3A_40, %dma_start3A_41] : memref<1000000x32xf32, #tpu.memory_space<hbm>> -> memref<1000000x32xf32, #tpu.memory_space<hbm>>
    tpu.enqueue_indirect_dma source(%dma_start3A_42 : memref<1000000x32xf32, #tpu.memory_space<hbm>>) target(%dma_start3A_36 : memref<50x32xf32, #tpu.memory_space<vmem>>) offsets(%dma_start3A_39 : memref<50xi32, #tpu.memory_space<vmem>>) semaphore(%arg11 : memref<!tpu.dma_semaphore, #tpu.memory_space<semaphore_mem>>)
    %dma_start3A_43 = arith.constant 2 : i32
    %dma_start3A_44 = arith.constant 2 : i32
    %dma_start3A_45 = arith.constant 0 : i32
    %dma_start3A_46 = arith.constant 0 : i32
    %dma_start3A_47 = tpu.memref_slice %arg7[%dma_start3A_44, %dma_start3A_45, %dma_start3A_46] : memref<16x50x32xf32, #tpu.memory_space<vmem>> -> memref<1x50x32xf32, #tpu.memory_space<vmem>>
    %dma_start3A_48 = tpu.memref_squeeze %dma_start3A_47 : memref<1x50x32xf32, #tpu.memory_space<vmem>> -> memref<50x32xf32, #tpu.memory_space<vmem>>
    %dma_start3A_49 = arith.constant 0 : i32
    %dma_start3A_50 = tpu.memref_slice %arg5[%dma_start3A_43, %dma_start3A_49] : memref<16x50xi32, #tpu.memory_space<vmem>> -> memref<1x50xi32, #tpu.memory_space<vmem>>
    %dma_start3A_51 = tpu.memref_squeeze %dma_start3A_50 : memref<1x50xi32, #tpu.memory_space<vmem>> -> memref<50xi32, #tpu.memory_space<vmem>>
    %dma_start3A_52 = arith.constant 0 : i32
    %dma_start3A_53 = arith.constant 0 : i32
    %dma_start3A_54 = tpu.memref_slice %arg2[%dma_start3A_52, %dma_start3A_53] : memref<1000000x32xf32, #tpu.memory_space<hbm>> -> memref<1000000x32xf32, #tpu.memory_space<hbm>>
    tpu.enqueue_indirect_dma source(%dma_start3A_54 : memref<1000000x32xf32, #tpu.memory_space<hbm>>) target(%dma_start3A_48 : memref<50x32xf32, #tpu.memory_space<vmem>>) offsets(%dma_start3A_51 : memref<50xi32, #tpu.memory_space<vmem>>) semaphore(%arg11 : memref<!tpu.dma_semaphore, #tpu.memory_space<semaphore_mem>>)
    %dma_start3A_55 = arith.constant 3 : i32
    %dma_start3A_56 = arith.constant 3 : i32
    %dma_start3A_57 = arith.constant 0 : i32
    %dma_start3A_58 = arith.constant 0 : i32
    %dma_start3A_59 = tpu.memref_slice %arg7[%dma_start3A_56, %dma_start3A_57, %dma_start3A_58] : memref<16x50x32xf32, #tpu.memory_space<vmem>> -> memref<1x50x32xf32, #tpu.memory_space<vmem>>
    %dma_start3A_60 = tpu.memref_squeeze %dma_start3A_59 : memref<1x50x32xf32, #tpu.memory_space<vmem>> -> memref<50x32xf32, #tpu.memory_space<vmem>>
    %dma_start3A_61 = arith.constant 0 : i32
    %dma_start3A_62 = tpu.memref_slice %arg5[%dma_start3A_55, %dma_start3A_61] : memref<16x50xi32, #tpu.memory_space<vmem>> -> memref<1x50xi32, #tpu.memory_space<vmem>>
    %dma_start3A_63 = tpu.memref_squeeze %dma_start3A_62 : memref<1x50xi32, #tpu.memory_space<vmem>> -> memref<50xi32, #tpu.memory_space<vmem>>
    %dma_start3A_64 = arith.constant 0 : i32
    %dma_start3A_65 = arith.constant 0 : i32
    %dma_start3A_66 = tpu.memref_slice %arg2[%dma_start3A_64, %dma_start3A_65] : memref<1000000x32xf32, #tpu.memory_space<hbm>> -> memref<1000000x32xf32, #tpu.memory_space<hbm>>
    tpu.enqueue_indirect_dma source(%dma_start3A_66 : memref<1000000x32xf32, #tpu.memory_space<hbm>>) target(%dma_start3A_60 : memref<50x32xf32, #tpu.memory_space<vmem>>) offsets(%dma_start3A_63 : memref<50xi32, #tpu.memory_space<vmem>>) semaphore(%arg11 : memref<!tpu.dma_semaphore, #tpu.memory_space<semaphore_mem>>)
    %dma_start3A_67 = arith.constant 4 : i32
    %dma_start3A_68 = arith.constant 4 : i32
    %dma_start3A_69 = arith.constant 0 : i32
    %dma_start3A_70 = arith.constant 0 : i32
    %dma_start3A_71 = tpu.memref_slice %arg7[%dma_start3A_68, %dma_start3A_69, %dma_start3A_70] : memref<16x50x32xf32, #tpu.memory_space<vmem>> -> memref<1x50x32xf32, #tpu.memory_space<vmem>>
    %dma_start3A_72 = tpu.memref_squeeze %dma_start3A_71 : memref<1x50x32xf32, #tpu.memory_space<vmem>> -> memref<50x32xf32, #tpu.memory_space<vmem>>
    %dma_start3A_73 = arith.constant 0 : i32
    %dma_start3A_74 = tpu.memref_slice %arg5[%dma_start3A_67, %dma_start3A_73] : memref<16x50xi32, #tpu.memory_space<vmem>> -> memref<1x50xi32, #tpu.memory_space<vmem>>
    %dma_start3A_75 = tpu.memref_squeeze %dma_start3A_74 : memref<1x50xi32, #tpu.memory_space<vmem>> -> memref<50xi32, #tpu.memory_space<vmem>>
    %dma_start3A_76 = arith.constant 0 : i32
    %dma_start3A_77 = arith.constant 0 : i32
    %dma_start3A_78 = tpu.memref_slice %arg2[%dma_start3A_76, %dma_start3A_77] : memref<1000000x32xf32, #tpu.memory_space<hbm>> -> memref<1000000x32xf32, #tpu.memory_space<hbm>>
    tpu.enqueue_indirect_dma source(%dma_start3A_78 : memref<1000000x32xf32, #tpu.memory_space<hbm>>) target(%dma_start3A_72 : memref<50x32xf32, #tpu.memory_space<vmem>>) offsets(%dma_start3A_75 : memref<50xi32, #tpu.memory_space<vmem>>) semaphore(%arg11 : memref<!tpu.dma_semaphore, #tpu.memory_space<semaphore_mem>>)
    %dma_start3A_79 = arith.constant 5 : i32
    %dma_start3A_80 = arith.constant 5 : i32
    %dma_start3A_81 = arith.constant 0 : i32
    %dma_start3A_82 = arith.constant 0 : i32
    %dma_start3A_83 = tpu.memref_slice %arg7[%dma_start3A_80, %dma_start3A_81, %dma_start3A_82] : memref<16x50x32xf32, #tpu.memory_space<vmem>> -> memref<1x50x32xf32, #tpu.memory_space<vmem>>
    %dma_start3A_84 = tpu.memref_squeeze %dma_start3A_83 : memref<1x50x32xf32, #tpu.memory_space<vmem>> -> memref<50x32xf32, #tpu.memory_space<vmem>>
    %dma_start3A_85 = arith.constant 0 : i32
    %dma_start3A_86 = tpu.memref_slice %arg5[%dma_start3A_79, %dma_start3A_85] : memref<16x50xi32, #tpu.memory_space<vmem>> -> memref<1x50xi32, #tpu.memory_space<vmem>>
    %dma_start3A_87 = tpu.memref_squeeze %dma_start3A_86 : memref<1x50xi32, #tpu.memory_space<vmem>> -> memref<50xi32, #tpu.memory_space<vmem>>
    %dma_start3A_88 = arith.constant 0 : i32
    %dma_start3A_89 = arith.constant 0 : i32
    %dma_start3A_90 = tpu.memref_slice %arg2[%dma_start3A_88, %dma_start3A_89] : memref<1000000x32xf32, #tpu.memory_space<hbm>> -> memref<1000000x32xf32, #tpu.memory_space<hbm>>
    tpu.enqueue_indirect_dma source(%dma_start3A_90 : memref<1000000x32xf32, #tpu.memory_space<hbm>>) target(%dma_start3A_84 : memref<50x32xf32, #tpu.memory_space<vmem>>) offsets(%dma_start3A_87 : memref<50xi32, #tpu.memory_space<vmem>>) semaphore(%arg11 : memref<!tpu.dma_semaphore, #tpu.memory_space<semaphore_mem>>)
    %dma_start3A_91 = arith.constant 6 : i32
    %dma_start3A_92 = arith.constant 6 : i32
    %dma_start3A_93 = arith.constant 0 : i32
    %dma_start3A_94 = arith.constant 0 : i32
    %dma_start3A_95 = tpu.memref_slice %arg7[%dma_start3A_92, %dma_start3A_93, %dma_start3A_94] : memref<16x50x32xf32, #tpu.memory_space<vmem>> -> memref<1x50x32xf32, #tpu.memory_space<vmem>>
    %dma_start3A_96 = tpu.memref_squeeze %dma_start3A_95 : memref<1x50x32xf32, #tpu.memory_space<vmem>> -> memref<50x32xf32, #tpu.memory_space<vmem>>
    %dma_start3A_97 = arith.constant 0 : i32
    %dma_start3A_98 = tpu.memref_slice %arg5[%dma_start3A_91, %dma_start3A_97] : memref<16x50xi32, #tpu.memory_space<vmem>> -> memref<1x50xi32, #tpu.memory_space<vmem>>
    %dma_start3A_99 = tpu.memref_squeeze %dma_start3A_98 : memref<1x50xi32, #tpu.memory_space<vmem>> -> memref<50xi32, #tpu.memory_space<vmem>>
    %dma_start3A_100 = arith.constant 0 : i32
    %dma_start3A_101 = arith.constant 0 : i32
    %dma_start3A_102 = tpu.memref_slice %arg2[%dma_start3A_100, %dma_start3A_101] : memref<1000000x32xf32, #tpu.memory_space<hbm>> -> memref<1000000x32xf32, #tpu.memory_space<hbm>>
    tpu.enqueue_indirect_dma source(%dma_start3A_102 : memref<1000000x32xf32, #tpu.memory_space<hbm>>) target(%dma_start3A_96 : memref<50x32xf32, #tpu.memory_space<vmem>>) offsets(%dma_start3A_99 : memref<50xi32, #tpu.memory_space<vmem>>) semaphore(%arg11 : memref<!tpu.dma_semaphore, #tpu.memory_space<semaphore_mem>>)
    %dma_start3A_103 = arith.constant 7 : i32
    %dma_start3A_104 = arith.constant 7 : i32
    %dma_start3A_105 = arith.constant 0 : i32
    %dma_start3A_106 = arith.constant 0 : i32
    %dma_start3A_107 = tpu.memref_slice %arg7[%dma_start3A_104, %dma_start3A_105, %dma_start3A_106] : memref<16x50x32xf32, #tpu.memory_space<vmem>> -> memref<1x50x32xf32, #tpu.memory_space<vmem>>
    %dma_start3A_108 = tpu.memref_squeeze %dma_start3A_107 : memref<1x50x32xf32, #tpu.memory_space<vmem>> -> memref<50x32xf32, #tpu.memory_space<vmem>>
    %dma_start3A_109 = arith.constant 0 : i32
    %dma_start3A_110 = tpu.memref_slice %arg5[%dma_start3A_103, %dma_start3A_109] : memref<16x50xi32, #tpu.memory_space<vmem>> -> memref<1x50xi32, #tpu.memory_space<vmem>>
    %dma_start3A_111 = tpu.memref_squeeze %dma_start3A_110 : memref<1x50xi32, #tpu.memory_space<vmem>> -> memref<50xi32, #tpu.memory_space<vmem>>
    %dma_start3A_112 = arith.constant 0 : i32
    %dma_start3A_113 = arith.constant 0 : i32
    %dma_start3A_114 = tpu.memref_slice %arg2[%dma_start3A_112, %dma_start3A_113] : memref<1000000x32xf32, #tpu.memory_space<hbm>> -> memref<1000000x32xf32, #tpu.memory_space<hbm>>
    tpu.enqueue_indirect_dma source(%dma_start3A_114 : memref<1000000x32xf32, #tpu.memory_space<hbm>>) target(%dma_start3A_108 : memref<50x32xf32, #tpu.memory_space<vmem>>) offsets(%dma_start3A_111 : memref<50xi32, #tpu.memory_space<vmem>>) semaphore(%arg11 : memref<!tpu.dma_semaphore, #tpu.memory_space<semaphore_mem>>)
    %dma_start3A_115 = arith.constant 8 : i32
    %dma_start3A_116 = arith.constant 8 : i32
    %dma_start3A_117 = arith.constant 0 : i32
    %dma_start3A_118 = arith.constant 0 : i32
    %dma_start3A_119 = tpu.memref_slice %arg7[%dma_start3A_116, %dma_start3A_117, %dma_start3A_118] : memref<16x50x32xf32, #tpu.memory_space<vmem>> -> memref<1x50x32xf32, #tpu.memory_space<vmem>>
    %dma_start3A_120 = tpu.memref_squeeze %dma_start3A_119 : memref<1x50x32xf32, #tpu.memory_space<vmem>> -> memref<50x32xf32, #tpu.memory_space<vmem>>
    %dma_start3A_121 = arith.constant 0 : i32
    %dma_start3A_122 = tpu.memref_slice %arg5[%dma_start3A_115, %dma_start3A_121] : memref<16x50xi32, #tpu.memory_space<vmem>> -> memref<1x50xi32, #tpu.memory_space<vmem>>
    %dma_start3A_123 = tpu.memref_squeeze %dma_start3A_122 : memref<1x50xi32, #tpu.memory_space<vmem>> -> memref<50xi32, #tpu.memory_space<vmem>>
    %dma_start3A_124 = arith.constant 0 : i32
    %dma_start3A_125 = arith.constant 0 : i32
    %dma_start3A_126 = tpu.memref_slice %arg2[%dma_start3A_124, %dma_start3A_125] : memref<1000000x32xf32, #tpu.memory_space<hbm>> -> memref<1000000x32xf32, #tpu.memory_space<hbm>>
    tpu.enqueue_indirect_dma source(%dma_start3A_126 : memref<1000000x32xf32, #tpu.memory_space<hbm>>) target(%dma_start3A_120 : memref<50x32xf32, #tpu.memory_space<vmem>>) offsets(%dma_start3A_123 : memref<50xi32, #tpu.memory_space<vmem>>) semaphore(%arg11 : memref<!tpu.dma_semaphore, #tpu.memory_space<semaphore_mem>>)
    %dma_start3A_127 = arith.constant 9 : i32
    %dma_start3A_128 = arith.constant 9 : i32
    %dma_start3A_129 = arith.constant 0 : i32
    %dma_start3A_130 = arith.constant 0 : i32
    %dma_start3A_131 = tpu.memref_slice %arg7[%dma_start3A_128, %dma_start3A_129, %dma_start3A_130] : memref<16x50x32xf32, #tpu.memory_space<vmem>> -> memref<1x50x32xf32, #tpu.memory_space<vmem>>
    %dma_start3A_132 = tpu.memref_squeeze %dma_start3A_131 : memref<1x50x32xf32, #tpu.memory_space<vmem>> -> memref<50x32xf32, #tpu.memory_space<vmem>>
    %dma_start3A_133 = arith.constant 0 : i32
    %dma_start3A_134 = tpu.memref_slice %arg5[%dma_start3A_127, %dma_start3A_133] : memref<16x50xi32, #tpu.memory_space<vmem>> -> memref<1x50xi32, #tpu.memory_space<vmem>>
    %dma_start3A_135 = tpu.memref_squeeze %dma_start3A_134 : memref<1x50xi32, #tpu.memory_space<vmem>> -> memref<50xi32, #tpu.memory_space<vmem>>
    %dma_start3A_136 = arith.constant 0 : i32
    %dma_start3A_137 = arith.constant 0 : i32
    %dma_start3A_138 = tpu.memref_slice %arg2[%dma_start3A_136, %dma_start3A_137] : memref<1000000x32xf32, #tpu.memory_space<hbm>> -> memref<1000000x32xf32, #tpu.memory_space<hbm>>
    tpu.enqueue_indirect_dma source(%dma_start3A_138 : memref<1000000x32xf32, #tpu.memory_space<hbm>>) target(%dma_start3A_132 : memref<50x32xf32, #tpu.memory_space<vmem>>) offsets(%dma_start3A_135 : memref<50xi32, #tpu.memory_space<vmem>>) semaphore(%arg11 : memref<!tpu.dma_semaphore, #tpu.memory_space<semaphore_mem>>)
    %dma_start3A_139 = arith.constant 10 : i32
    %dma_start3A_140 = arith.constant 10 : i32
    %dma_start3A_141 = arith.constant 0 : i32
    %dma_start3A_142 = arith.constant 0 : i32
    %dma_start3A_143 = tpu.memref_slice %arg7[%dma_start3A_140, %dma_start3A_141, %dma_start3A_142] : memref<16x50x32xf32, #tpu.memory_space<vmem>> -> memref<1x50x32xf32, #tpu.memory_space<vmem>>
    %dma_start3A_144 = tpu.memref_squeeze %dma_start3A_143 : memref<1x50x32xf32, #tpu.memory_space<vmem>> -> memref<50x32xf32, #tpu.memory_space<vmem>>
    %dma_start3A_145 = arith.constant 0 : i32
    %dma_start3A_146 = tpu.memref_slice %arg5[%dma_start3A_139, %dma_start3A_145] : memref<16x50xi32, #tpu.memory_space<vmem>> -> memref<1x50xi32, #tpu.memory_space<vmem>>
    %dma_start3A_147 = tpu.memref_squeeze %dma_start3A_146 : memref<1x50xi32, #tpu.memory_space<vmem>> -> memref<50xi32, #tpu.memory_space<vmem>>
    %dma_start3A_148 = arith.constant 0 : i32
    %dma_start3A_149 = arith.constant 0 : i32
    %dma_start3A_150 = tpu.memref_slice %arg2[%dma_start3A_148, %dma_start3A_149] : memref<1000000x32xf32, #tpu.memory_space<hbm>> -> memref<1000000x32xf32, #tpu.memory_space<hbm>>
    tpu.enqueue_indirect_dma source(%dma_start3A_150 : memref<1000000x32xf32, #tpu.memory_space<hbm>>) target(%dma_start3A_144 : memref<50x32xf32, #tpu.memory_space<vmem>>) offsets(%dma_start3A_147 : memref<50xi32, #tpu.memory_space<vmem>>) semaphore(%arg11 : memref<!tpu.dma_semaphore, #tpu.memory_space<semaphore_mem>>)
    %dma_start3A_151 = arith.constant 11 : i32
    %dma_start3A_152 = arith.constant 11 : i32
    %dma_start3A_153 = arith.constant 0 : i32
    %dma_start3A_154 = arith.constant 0 : i32
    %dma_start3A_155 = tpu.memref_slice %arg7[%dma_start3A_152, %dma_start3A_153, %dma_start3A_154] : memref<16x50x32xf32, #tpu.memory_space<vmem>> -> memref<1x50x32xf32, #tpu.memory_space<vmem>>
    %dma_start3A_156 = tpu.memref_squeeze %dma_start3A_155 : memref<1x50x32xf32, #tpu.memory_space<vmem>> -> memref<50x32xf32, #tpu.memory_space<vmem>>
    %dma_start3A_157 = arith.constant 0 : i32
    %dma_start3A_158 = tpu.memref_slice %arg5[%dma_start3A_151, %dma_start3A_157] : memref<16x50xi32, #tpu.memory_space<vmem>> -> memref<1x50xi32, #tpu.memory_space<vmem>>
    %dma_start3A_159 = tpu.memref_squeeze %dma_start3A_158 : memref<1x50xi32, #tpu.memory_space<vmem>> -> memref<50xi32, #tpu.memory_space<vmem>>
    %dma_start3A_160 = arith.constant 0 : i32
    %dma_start3A_161 = arith.constant 0 : i32
    %dma_start3A_162 = tpu.memref_slice %arg2[%dma_start3A_160, %dma_start3A_161] : memref<1000000x32xf32, #tpu.memory_space<hbm>> -> memref<1000000x32xf32, #tpu.memory_space<hbm>>
    tpu.enqueue_indirect_dma source(%dma_start3A_162 : memref<1000000x32xf32, #tpu.memory_space<hbm>>) target(%dma_start3A_156 : memref<50x32xf32, #tpu.memory_space<vmem>>) offsets(%dma_start3A_159 : memref<50xi32, #tpu.memory_space<vmem>>) semaphore(%arg11 : memref<!tpu.dma_semaphore, #tpu.memory_space<semaphore_mem>>)
    %dma_start3A_163 = arith.constant 12 : i32
    %dma_start3A_164 = arith.constant 12 : i32
    %dma_start3A_165 = arith.constant 0 : i32
    %dma_start3A_166 = arith.constant 0 : i32
    %dma_start3A_167 = tpu.memref_slice %arg7[%dma_start3A_164, %dma_start3A_165, %dma_start3A_166] : memref<16x50x32xf32, #tpu.memory_space<vmem>> -> memref<1x50x32xf32, #tpu.memory_space<vmem>>
    %dma_start3A_168 = tpu.memref_squeeze %dma_start3A_167 : memref<1x50x32xf32, #tpu.memory_space<vmem>> -> memref<50x32xf32, #tpu.memory_space<vmem>>
    %dma_start3A_169 = arith.constant 0 : i32
    %dma_start3A_170 = tpu.memref_slice %arg5[%dma_start3A_163, %dma_start3A_169] : memref<16x50xi32, #tpu.memory_space<vmem>> -> memref<1x50xi32, #tpu.memory_space<vmem>>
    %dma_start3A_171 = tpu.memref_squeeze %dma_start3A_170 : memref<1x50xi32, #tpu.memory_space<vmem>> -> memref<50xi32, #tpu.memory_space<vmem>>
    %dma_start3A_172 = arith.constant 0 : i32
    %dma_start3A_173 = arith.constant 0 : i32
    %dma_start3A_174 = tpu.memref_slice %arg2[%dma_start3A_172, %dma_start3A_173] : memref<1000000x32xf32, #tpu.memory_space<hbm>> -> memref<1000000x32xf32, #tpu.memory_space<hbm>>
    tpu.enqueue_indirect_dma source(%dma_start3A_174 : memref<1000000x32xf32, #tpu.memory_space<hbm>>) target(%dma_start3A_168 : memref<50x32xf32, #tpu.memory_space<vmem>>) offsets(%dma_start3A_171 : memref<50xi32, #tpu.memory_space<vmem>>) semaphore(%arg11 : memref<!tpu.dma_semaphore, #tpu.memory_space<semaphore_mem>>)
    %dma_start3A_175 = arith.constant 13 : i32
    %dma_start3A_176 = arith.constant 13 : i32
    %dma_start3A_177 = arith.constant 0 : i32
    %dma_start3A_178 = arith.constant 0 : i32
    %dma_start3A_179 = tpu.memref_slice %arg7[%dma_start3A_176, %dma_start3A_177, %dma_start3A_178] : memref<16x50x32xf32, #tpu.memory_space<vmem>> -> memref<1x50x32xf32, #tpu.memory_space<vmem>>
    %dma_start3A_180 = tpu.memref_squeeze %dma_start3A_179 : memref<1x50x32xf32, #tpu.memory_space<vmem>> -> memref<50x32xf32, #tpu.memory_space<vmem>>
    %dma_start3A_181 = arith.constant 0 : i32
    %dma_start3A_182 = tpu.memref_slice %arg5[%dma_start3A_175, %dma_start3A_181] : memref<16x50xi32, #tpu.memory_space<vmem>> -> memref<1x50xi32, #tpu.memory_space<vmem>>
    %dma_start3A_183 = tpu.memref_squeeze %dma_start3A_182 : memref<1x50xi32, #tpu.memory_space<vmem>> -> memref<50xi32, #tpu.memory_space<vmem>>
    %dma_start3A_184 = arith.constant 0 : i32
    %dma_start3A_185 = arith.constant 0 : i32
    %dma_start3A_186 = tpu.memref_slice %arg2[%dma_start3A_184, %dma_start3A_185] : memref<1000000x32xf32, #tpu.memory_space<hbm>> -> memref<1000000x32xf32, #tpu.memory_space<hbm>>
    tpu.enqueue_indirect_dma source(%dma_start3A_186 : memref<1000000x32xf32, #tpu.memory_space<hbm>>) target(%dma_start3A_180 : memref<50x32xf32, #tpu.memory_space<vmem>>) offsets(%dma_start3A_183 : memref<50xi32, #tpu.memory_space<vmem>>) semaphore(%arg11 : memref<!tpu.dma_semaphore, #tpu.memory_space<semaphore_mem>>)
    %dma_start3A_187 = arith.constant 14 : i32
    %dma_start3A_188 = arith.constant 14 : i32
    %dma_start3A_189 = arith.constant 0 : i32
    %dma_start3A_190 = arith.constant 0 : i32
    %dma_start3A_191 = tpu.memref_slice %arg7[%dma_start3A_188, %dma_start3A_189, %dma_start3A_190] : memref<16x50x32xf32, #tpu.memory_space<vmem>> -> memref<1x50x32xf32, #tpu.memory_space<vmem>>
    %dma_start3A_192 = tpu.memref_squeeze %dma_start3A_191 : memref<1x50x32xf32, #tpu.memory_space<vmem>> -> memref<50x32xf32, #tpu.memory_space<vmem>>
    %dma_start3A_193 = arith.constant 0 : i32
    %dma_start3A_194 = tpu.memref_slice %arg5[%dma_start3A_187, %dma_start3A_193] : memref<16x50xi32, #tpu.memory_space<vmem>> -> memref<1x50xi32, #tpu.memory_space<vmem>>
    %dma_start3A_195 = tpu.memref_squeeze %dma_start3A_194 : memref<1x50xi32, #tpu.memory_space<vmem>> -> memref<50xi32, #tpu.memory_space<vmem>>
    %dma_start3A_196 = arith.constant 0 : i32
    %dma_start3A_197 = arith.constant 0 : i32
    %dma_start3A_198 = tpu.memref_slice %arg2[%dma_start3A_196, %dma_start3A_197] : memref<1000000x32xf32, #tpu.memory_space<hbm>> -> memref<1000000x32xf32, #tpu.memory_space<hbm>>
    tpu.enqueue_indirect_dma source(%dma_start3A_198 : memref<1000000x32xf32, #tpu.memory_space<hbm>>) target(%dma_start3A_192 : memref<50x32xf32, #tpu.memory_space<vmem>>) offsets(%dma_start3A_195 : memref<50xi32, #tpu.memory_space<vmem>>) semaphore(%arg11 : memref<!tpu.dma_semaphore, #tpu.memory_space<semaphore_mem>>)
    %dma_start3A_199 = arith.constant 15 : i32
    %dma_start3A_200 = arith.constant 15 : i32
    %dma_start3A_201 = arith.constant 0 : i32
    %dma_start3A_202 = arith.constant 0 : i32
    %dma_start3A_203 = tpu.memref_slice %arg7[%dma_start3A_200, %dma_start3A_201, %dma_start3A_202] : memref<16x50x32xf32, #tpu.memory_space<vmem>> -> memref<1x50x32xf32, #tpu.memory_space<vmem>>
    %dma_start3A_204 = tpu.memref_squeeze %dma_start3A_203 : memref<1x50x32xf32, #tpu.memory_space<vmem>> -> memref<50x32xf32, #tpu.memory_space<vmem>>
    %dma_start3A_205 = arith.constant 0 : i32
    %dma_start3A_206 = tpu.memref_slice %arg5[%dma_start3A_199, %dma_start3A_205] : memref<16x50xi32, #tpu.memory_space<vmem>> -> memref<1x50xi32, #tpu.memory_space<vmem>>
    %dma_start3A_207 = tpu.memref_squeeze %dma_start3A_206 : memref<1x50xi32, #tpu.memory_space<vmem>> -> memref<50xi32, #tpu.memory_space<vmem>>
    %dma_start3A_208 = arith.constant 0 : i32
    %dma_start3A_209 = arith.constant 0 : i32
    %dma_start3A_210 = tpu.memref_slice %arg2[%dma_start3A_208, %dma_start3A_209] : memref<1000000x32xf32, #tpu.memory_space<hbm>> -> memref<1000000x32xf32, #tpu.memory_space<hbm>>
    tpu.enqueue_indirect_dma source(%dma_start3A_210 : memref<1000000x32xf32, #tpu.memory_space<hbm>>) target(%dma_start3A_204 : memref<50x32xf32, #tpu.memory_space<vmem>>) offsets(%dma_start3A_207 : memref<50xi32, #tpu.memory_space<vmem>>) semaphore(%arg11 : memref<!tpu.dma_semaphore, #tpu.memory_space<semaphore_mem>>)
    %dma_wait3A_211 = arith.constant 0 : i32
    %dma_wait3A_212 = arith.constant 0 : i32
    %dma_wait3A_213 = tpu.memref_slice %arg3[%dma_wait3A_211, %dma_wait3A_212] : memref<16384x50xi32, #tpu.memory_space<hbm>> -> memref<16x50xi32, #tpu.memory_space<hbm>>
    %dma_wait3A_214 = arith.constant 0 : i32
    %dma_wait3A_215 = arith.constant 0 : i32
    %dma_wait3A_216 = tpu.memref_slice %arg3[%dma_wait3A_214, %dma_wait3A_215] : memref<16384x50xi32, #tpu.memory_space<hbm>> -> memref<16x50xi32, #tpu.memory_space<hbm>>
    tpu.wait_dma2 semaphore(%arg10 : memref<!tpu.dma_semaphore, #tpu.memory_space<semaphore_mem>>) src(%dma_wait3A_216 : memref<16x50xi32, #tpu.memory_space<hbm>>) dst(%arg6 : memref<16x50xi32, #tpu.memory_space<vmem>>)
    %dma_start3A_217 = arith.constant 0 : i32
    %dma_start3A_218 = arith.constant 0 : i32
    %dma_start3A_219 = arith.constant 0 : i32
    %dma_start3A_220 = arith.constant 0 : i32
    %dma_start3A_221 = tpu.memref_slice %arg8[%dma_start3A_218, %dma_start3A_219, %dma_start3A_220] : memref<16x50x32xf32, #tpu.memory_space<vmem>> -> memref<1x50x32xf32, #tpu.memory_space<vmem>>
    %dma_start3A_222 = tpu.memref_squeeze %dma_start3A_221 : memref<1x50x32xf32, #tpu.memory_space<vmem>> -> memref<50x32xf32, #tpu.memory_space<vmem>>
    %dma_start3A_223 = arith.constant 0 : i32
    %dma_start3A_224 = tpu.memref_slice %arg6[%dma_start3A_217, %dma_start3A_223] : memref<16x50xi32, #tpu.memory_space<vmem>> -> memref<1x50xi32, #tpu.memory_space<vmem>>
    %dma_start3A_225 = tpu.memref_squeeze %dma_start3A_224 : memref<1x50xi32, #tpu.memory_space<vmem>> -> memref<50xi32, #tpu.memory_space<vmem>>
    %dma_start3A_226 = arith.constant 0 : i32
    %dma_start3A_227 = arith.constant 0 : i32
    %dma_start3A_228 = tpu.memref_slice %arg2[%dma_start3A_226, %dma_start3A_227] : memref<1000000x32xf32, #tpu.memory_space<hbm>> -> memref<1000000x32xf32, #tpu.memory_space<hbm>>
    tpu.enqueue_indirect_dma source(%dma_start3A_228 : memref<1000000x32xf32, #tpu.memory_space<hbm>>) target(%dma_start3A_222 : memref<50x32xf32, #tpu.memory_space<vmem>>) offsets(%dma_start3A_225 : memref<50xi32, #tpu.memory_space<vmem>>) semaphore(%arg12 : memref<!tpu.dma_semaphore, #tpu.memory_space<semaphore_mem>>)
    %dma_start3A_229 = arith.constant 1 : i32
    %dma_start3A_230 = arith.constant 1 : i32
    %dma_start3A_231 = arith.constant 0 : i32
    %dma_start3A_232 = arith.constant 0 : i32
    %dma_start3A_233 = tpu.memref_slice %arg8[%dma_start3A_230, %dma_start3A_231, %dma_start3A_232] : memref<16x50x32xf32, #tpu.memory_space<vmem>> -> memref<1x50x32xf32, #tpu.memory_space<vmem>>
    %dma_start3A_234 = tpu.memref_squeeze %dma_start3A_233 : memref<1x50x32xf32, #tpu.memory_space<vmem>> -> memref<50x32xf32, #tpu.memory_space<vmem>>
    %dma_start3A_235 = arith.constant 0 : i32
    %dma_start3A_236 = tpu.memref_slice %arg6[%dma_start3A_229, %dma_start3A_235] : memref<16x50xi32, #tpu.memory_space<vmem>> -> memref<1x50xi32, #tpu.memory_space<vmem>>
    %dma_start3A_237 = tpu.memref_squeeze %dma_start3A_236 : memref<1x50xi32, #tpu.memory_space<vmem>> -> memref<50xi32, #tpu.memory_space<vmem>>
    %dma_start3A_238 = arith.constant 0 : i32
    %dma_start3A_239 = arith.constant 0 : i32
    %dma_start3A_240 = tpu.memref_slice %arg2[%dma_start3A_238, %dma_start3A_239] : memref<1000000x32xf32, #tpu.memory_space<hbm>> -> memref<1000000x32xf32, #tpu.memory_space<hbm>>
    tpu.enqueue_indirect_dma source(%dma_start3A_240 : memref<1000000x32xf32, #tpu.memory_space<hbm>>) target(%dma_start3A_234 : memref<50x32xf32, #tpu.memory_space<vmem>>) offsets(%dma_start3A_237 : memref<50xi32, #tpu.memory_space<vmem>>) semaphore(%arg12 : memref<!tpu.dma_semaphore, #tpu.memory_space<semaphore_mem>>)
    %dma_start3A_241 = arith.constant 2 : i32
    %dma_start3A_242 = arith.constant 2 : i32
    %dma_start3A_243 = arith.constant 0 : i32
    %dma_start3A_244 = arith.constant 0 : i32
    %dma_start3A_245 = tpu.memref_slice %arg8[%dma_start3A_242, %dma_start3A_243, %dma_start3A_244] : memref<16x50x32xf32, #tpu.memory_space<vmem>> -> memref<1x50x32xf32, #tpu.memory_space<vmem>>
    %dma_start3A_246 = tpu.memref_squeeze %dma_start3A_245 : memref<1x50x32xf32, #tpu.memory_space<vmem>> -> memref<50x32xf32, #tpu.memory_space<vmem>>
    %dma_start3A_247 = arith.constant 0 : i32
    %dma_start3A_248 = tpu.memref_slice %arg6[%dma_start3A_241, %dma_start3A_247] : memref<16x50xi32, #tpu.memory_space<vmem>> -> memref<1x50xi32, #tpu.memory_space<vmem>>
    %dma_start3A_249 = tpu.memref_squeeze %dma_start3A_248 : memref<1x50xi32, #tpu.memory_space<vmem>> -> memref<50xi32, #tpu.memory_space<vmem>>
    %dma_start3A_250 = arith.constant 0 : i32
    %dma_start3A_251 = arith.constant 0 : i32
    %dma_start3A_252 = tpu.memref_slice %arg2[%dma_start3A_250, %dma_start3A_251] : memref<1000000x32xf32, #tpu.memory_space<hbm>> -> memref<1000000x32xf32, #tpu.memory_space<hbm>>
    tpu.enqueue_indirect_dma source(%dma_start3A_252 : memref<1000000x32xf32, #tpu.memory_space<hbm>>) target(%dma_start3A_246 : memref<50x32xf32, #tpu.memory_space<vmem>>) offsets(%dma_start3A_249 : memref<50xi32, #tpu.memory_space<vmem>>) semaphore(%arg12 : memref<!tpu.dma_semaphore, #tpu.memory_space<semaphore_mem>>)
    %dma_start3A_253 = arith.constant 3 : i32
    %dma_start3A_254 = arith.constant 3 : i32
    %dma_start3A_255 = arith.constant 0 : i32
    %dma_start3A_256 = arith.constant 0 : i32
    %dma_start3A_257 = tpu.memref_slice %arg8[%dma_start3A_254, %dma_start3A_255, %dma_start3A_256] : memref<16x50x32xf32, #tpu.memory_space<vmem>> -> memref<1x50x32xf32, #tpu.memory_space<vmem>>
    %dma_start3A_258 = tpu.memref_squeeze %dma_start3A_257 : memref<1x50x32xf32, #tpu.memory_space<vmem>> -> memref<50x32xf32, #tpu.memory_space<vmem>>
    %dma_start3A_259 = arith.constant 0 : i32
    %dma_start3A_260 = tpu.memref_slice %arg6[%dma_start3A_253, %dma_start3A_259] : memref<16x50xi32, #tpu.memory_space<vmem>> -> memref<1x50xi32, #tpu.memory_space<vmem>>
    %dma_start3A_261 = tpu.memref_squeeze %dma_start3A_260 : memref<1x50xi32, #tpu.memory_space<vmem>> -> memref<50xi32, #tpu.memory_space<vmem>>
    %dma_start3A_262 = arith.constant 0 : i32
    %dma_start3A_263 = arith.constant 0 : i32
    %dma_start3A_264 = tpu.memref_slice %arg2[%dma_start3A_262, %dma_start3A_263] : memref<1000000x32xf32, #tpu.memory_space<hbm>> -> memref<1000000x32xf32, #tpu.memory_space<hbm>>
    tpu.enqueue_indirect_dma source(%dma_start3A_264 : memref<1000000x32xf32, #tpu.memory_space<hbm>>) target(%dma_start3A_258 : memref<50x32xf32, #tpu.memory_space<vmem>>) offsets(%dma_start3A_261 : memref<50xi32, #tpu.memory_space<vmem>>) semaphore(%arg12 : memref<!tpu.dma_semaphore, #tpu.memory_space<semaphore_mem>>)
    %dma_start3A_265 = arith.constant 4 : i32
    %dma_start3A_266 = arith.constant 4 : i32
    %dma_start3A_267 = arith.constant 0 : i32
    %dma_start3A_268 = arith.constant 0 : i32
    %dma_start3A_269 = tpu.memref_slice %arg8[%dma_start3A_266, %dma_start3A_267, %dma_start3A_268] : memref<16x50x32xf32, #tpu.memory_space<vmem>> -> memref<1x50x32xf32, #tpu.memory_space<vmem>>
    %dma_start3A_270 = tpu.memref_squeeze %dma_start3A_269 : memref<1x50x32xf32, #tpu.memory_space<vmem>> -> memref<50x32xf32, #tpu.memory_space<vmem>>
    %dma_start3A_271 = arith.constant 0 : i32
    %dma_start3A_272 = tpu.memref_slice %arg6[%dma_start3A_265, %dma_start3A_271] : memref<16x50xi32, #tpu.memory_space<vmem>> -> memref<1x50xi32, #tpu.memory_space<vmem>>
    %dma_start3A_273 = tpu.memref_squeeze %dma_start3A_272 : memref<1x50xi32, #tpu.memory_space<vmem>> -> memref<50xi32, #tpu.memory_space<vmem>>
    %dma_start3A_274 = arith.constant 0 : i32
    %dma_start3A_275 = arith.constant 0 : i32
    %dma_start3A_276 = tpu.memref_slice %arg2[%dma_start3A_274, %dma_start3A_275] : memref<1000000x32xf32, #tpu.memory_space<hbm>> -> memref<1000000x32xf32, #tpu.memory_space<hbm>>
    tpu.enqueue_indirect_dma source(%dma_start3A_276 : memref<1000000x32xf32, #tpu.memory_space<hbm>>) target(%dma_start3A_270 : memref<50x32xf32, #tpu.memory_space<vmem>>) offsets(%dma_start3A_273 : memref<50xi32, #tpu.memory_space<vmem>>) semaphore(%arg12 : memref<!tpu.dma_semaphore, #tpu.memory_space<semaphore_mem>>)
    %dma_start3A_277 = arith.constant 5 : i32
    %dma_start3A_278 = arith.constant 5 : i32
    %dma_start3A_279 = arith.constant 0 : i32
    %dma_start3A_280 = arith.constant 0 : i32
    %dma_start3A_281 = tpu.memref_slice %arg8[%dma_start3A_278, %dma_start3A_279, %dma_start3A_280] : memref<16x50x32xf32, #tpu.memory_space<vmem>> -> memref<1x50x32xf32, #tpu.memory_space<vmem>>
    %dma_start3A_282 = tpu.memref_squeeze %dma_start3A_281 : memref<1x50x32xf32, #tpu.memory_space<vmem>> -> memref<50x32xf32, #tpu.memory_space<vmem>>
    %dma_start3A_283 = arith.constant 0 : i32
    %dma_start3A_284 = tpu.memref_slice %arg6[%dma_start3A_277, %dma_start3A_283] : memref<16x50xi32, #tpu.memory_space<vmem>> -> memref<1x50xi32, #tpu.memory_space<vmem>>
    %dma_start3A_285 = tpu.memref_squeeze %dma_start3A_284 : memref<1x50xi32, #tpu.memory_space<vmem>> -> memref<50xi32, #tpu.memory_space<vmem>>
    %dma_start3A_286 = arith.constant 0 : i32
    %dma_start3A_287 = arith.constant 0 : i32
    %dma_start3A_288 = tpu.memref_slice %arg2[%dma_start3A_286, %dma_start3A_287] : memref<1000000x32xf32, #tpu.memory_space<hbm>> -> memref<1000000x32xf32, #tpu.memory_space<hbm>>
    tpu.enqueue_indirect_dma source(%dma_start3A_288 : memref<1000000x32xf32, #tpu.memory_space<hbm>>) target(%dma_start3A_282 : memref<50x32xf32, #tpu.memory_space<vmem>>) offsets(%dma_start3A_285 : memref<50xi32, #tpu.memory_space<vmem>>) semaphore(%arg12 : memref<!tpu.dma_semaphore, #tpu.memory_space<semaphore_mem>>)
    %dma_start3A_289 = arith.constant 6 : i32
    %dma_start3A_290 = arith.constant 6 : i32
    %dma_start3A_291 = arith.constant 0 : i32
    %dma_start3A_292 = arith.constant 0 : i32
    %dma_start3A_293 = tpu.memref_slice %arg8[%dma_start3A_290, %dma_start3A_291, %dma_start3A_292] : memref<16x50x32xf32, #tpu.memory_space<vmem>> -> memref<1x50x32xf32, #tpu.memory_space<vmem>>
    %dma_start3A_294 = tpu.memref_squeeze %dma_start3A_293 : memref<1x50x32xf32, #tpu.memory_space<vmem>> -> memref<50x32xf32, #tpu.memory_space<vmem>>
    %dma_start3A_295 = arith.constant 0 : i32
    %dma_start3A_296 = tpu.memref_slice %arg6[%dma_start3A_289, %dma_start3A_295] : memref<16x50xi32, #tpu.memory_space<vmem>> -> memref<1x50xi32, #tpu.memory_space<vmem>>
    %dma_start3A_297 = tpu.memref_squeeze %dma_start3A_296 : memref<1x50xi32, #tpu.memory_space<vmem>> -> memref<50xi32, #tpu.memory_space<vmem>>
    %dma_start3A_298 = arith.constant 0 : i32
    %dma_start3A_299 = arith.constant 0 : i32
    %dma_start3A_300 = tpu.memref_slice %arg2[%dma_start3A_298, %dma_start3A_299] : memref<1000000x32xf32, #tpu.memory_space<hbm>> -> memref<1000000x32xf32, #tpu.memory_space<hbm>>
    tpu.enqueue_indirect_dma source(%dma_start3A_300 : memref<1000000x32xf32, #tpu.memory_space<hbm>>) target(%dma_start3A_294 : memref<50x32xf32, #tpu.memory_space<vmem>>) offsets(%dma_start3A_297 : memref<50xi32, #tpu.memory_space<vmem>>) semaphore(%arg12 : memref<!tpu.dma_semaphore, #tpu.memory_space<semaphore_mem>>)
    %dma_start3A_301 = arith.constant 7 : i32
    %dma_start3A_302 = arith.constant 7 : i32
    %dma_start3A_303 = arith.constant 0 : i32
    %dma_start3A_304 = arith.constant 0 : i32
    %dma_start3A_305 = tpu.memref_slice %arg8[%dma_start3A_302, %dma_start3A_303, %dma_start3A_304] : memref<16x50x32xf32, #tpu.memory_space<vmem>> -> memref<1x50x32xf32, #tpu.memory_space<vmem>>
    %dma_start3A_306 = tpu.memref_squeeze %dma_start3A_305 : memref<1x50x32xf32, #tpu.memory_space<vmem>> -> memref<50x32xf32, #tpu.memory_space<vmem>>
    %dma_start3A_307 = arith.constant 0 : i32
    %dma_start3A_308 = tpu.memref_slice %arg6[%dma_start3A_301, %dma_start3A_307] : memref<16x50xi32, #tpu.memory_space<vmem>> -> memref<1x50xi32, #tpu.memory_space<vmem>>
    %dma_start3A_309 = tpu.memref_squeeze %dma_start3A_308 : memref<1x50xi32, #tpu.memory_space<vmem>> -> memref<50xi32, #tpu.memory_space<vmem>>
    %dma_start3A_310 = arith.constant 0 : i32
    %dma_start3A_311 = arith.constant 0 : i32
    %dma_start3A_312 = tpu.memref_slice %arg2[%dma_start3A_310, %dma_start3A_311] : memref<1000000x32xf32, #tpu.memory_space<hbm>> -> memref<1000000x32xf32, #tpu.memory_space<hbm>>
    tpu.enqueue_indirect_dma source(%dma_start3A_312 : memref<1000000x32xf32, #tpu.memory_space<hbm>>) target(%dma_start3A_306 : memref<50x32xf32, #tpu.memory_space<vmem>>) offsets(%dma_start3A_309 : memref<50xi32, #tpu.memory_space<vmem>>) semaphore(%arg12 : memref<!tpu.dma_semaphore, #tpu.memory_space<semaphore_mem>>)
    %dma_start3A_313 = arith.constant 8 : i32
    %dma_start3A_314 = arith.constant 8 : i32
    %dma_start3A_315 = arith.constant 0 : i32
    %dma_start3A_316 = arith.constant 0 : i32
    %dma_start3A_317 = tpu.memref_slice %arg8[%dma_start3A_314, %dma_start3A_315, %dma_start3A_316] : memref<16x50x32xf32, #tpu.memory_space<vmem>> -> memref<1x50x32xf32, #tpu.memory_space<vmem>>
    %dma_start3A_318 = tpu.memref_squeeze %dma_start3A_317 : memref<1x50x32xf32, #tpu.memory_space<vmem>> -> memref<50x32xf32, #tpu.memory_space<vmem>>
    %dma_start3A_319 = arith.constant 0 : i32
    %dma_start3A_320 = tpu.memref_slice %arg6[%dma_start3A_313, %dma_start3A_319] : memref<16x50xi32, #tpu.memory_space<vmem>> -> memref<1x50xi32, #tpu.memory_space<vmem>>
    %dma_start3A_321 = tpu.memref_squeeze %dma_start3A_320 : memref<1x50xi32, #tpu.memory_space<vmem>> -> memref<50xi32, #tpu.memory_space<vmem>>
    %dma_start3A_322 = arith.constant 0 : i32
    %dma_start3A_323 = arith.constant 0 : i32
    %dma_start3A_324 = tpu.memref_slice %arg2[%dma_start3A_322, %dma_start3A_323] : memref<1000000x32xf32, #tpu.memory_space<hbm>> -> memref<1000000x32xf32, #tpu.memory_space<hbm>>
    tpu.enqueue_indirect_dma source(%dma_start3A_324 : memref<1000000x32xf32, #tpu.memory_space<hbm>>) target(%dma_start3A_318 : memref<50x32xf32, #tpu.memory_space<vmem>>) offsets(%dma_start3A_321 : memref<50xi32, #tpu.memory_space<vmem>>) semaphore(%arg12 : memref<!tpu.dma_semaphore, #tpu.memory_space<semaphore_mem>>)
    %dma_start3A_325 = arith.constant 9 : i32
    %dma_start3A_326 = arith.constant 9 : i32
    %dma_start3A_327 = arith.constant 0 : i32
    %dma_start3A_328 = arith.constant 0 : i32
    %dma_start3A_329 = tpu.memref_slice %arg8[%dma_start3A_326, %dma_start3A_327, %dma_start3A_328] : memref<16x50x32xf32, #tpu.memory_space<vmem>> -> memref<1x50x32xf32, #tpu.memory_space<vmem>>
    %dma_start3A_330 = tpu.memref_squeeze %dma_start3A_329 : memref<1x50x32xf32, #tpu.memory_space<vmem>> -> memref<50x32xf32, #tpu.memory_space<vmem>>
    %dma_start3A_331 = arith.constant 0 : i32
    %dma_start3A_332 = tpu.memref_slice %arg6[%dma_start3A_325, %dma_start3A_331] : memref<16x50xi32, #tpu.memory_space<vmem>> -> memref<1x50xi32, #tpu.memory_space<vmem>>
    %dma_start3A_333 = tpu.memref_squeeze %dma_start3A_332 : memref<1x50xi32, #tpu.memory_space<vmem>> -> memref<50xi32, #tpu.memory_space<vmem>>
    %dma_start3A_334 = arith.constant 0 : i32
    %dma_start3A_335 = arith.constant 0 : i32
    %dma_start3A_336 = tpu.memref_slice %arg2[%dma_start3A_334, %dma_start3A_335] : memref<1000000x32xf32, #tpu.memory_space<hbm>> -> memref<1000000x32xf32, #tpu.memory_space<hbm>>
    tpu.enqueue_indirect_dma source(%dma_start3A_336 : memref<1000000x32xf32, #tpu.memory_space<hbm>>) target(%dma_start3A_330 : memref<50x32xf32, #tpu.memory_space<vmem>>) offsets(%dma_start3A_333 : memref<50xi32, #tpu.memory_space<vmem>>) semaphore(%arg12 : memref<!tpu.dma_semaphore, #tpu.memory_space<semaphore_mem>>)
    %dma_start3A_337 = arith.constant 10 : i32
    %dma_start3A_338 = arith.constant 10 : i32
    %dma_start3A_339 = arith.constant 0 : i32
    %dma_start3A_340 = arith.constant 0 : i32
    %dma_start3A_341 = tpu.memref_slice %arg8[%dma_start3A_338, %dma_start3A_339, %dma_start3A_340] : memref<16x50x32xf32, #tpu.memory_space<vmem>> -> memref<1x50x32xf32, #tpu.memory_space<vmem>>
    %dma_start3A_342 = tpu.memref_squeeze %dma_start3A_341 : memref<1x50x32xf32, #tpu.memory_space<vmem>> -> memref<50x32xf32, #tpu.memory_space<vmem>>
    %dma_start3A_343 = arith.constant 0 : i32
    %dma_start3A_344 = tpu.memref_slice %arg6[%dma_start3A_337, %dma_start3A_343] : memref<16x50xi32, #tpu.memory_space<vmem>> -> memref<1x50xi32, #tpu.memory_space<vmem>>
    %dma_start3A_345 = tpu.memref_squeeze %dma_start3A_344 : memref<1x50xi32, #tpu.memory_space<vmem>> -> memref<50xi32, #tpu.memory_space<vmem>>
    %dma_start3A_346 = arith.constant 0 : i32
    %dma_start3A_347 = arith.constant 0 : i32
    %dma_start3A_348 = tpu.memref_slice %arg2[%dma_start3A_346, %dma_start3A_347] : memref<1000000x32xf32, #tpu.memory_space<hbm>> -> memref<1000000x32xf32, #tpu.memory_space<hbm>>
    tpu.enqueue_indirect_dma source(%dma_start3A_348 : memref<1000000x32xf32, #tpu.memory_space<hbm>>) target(%dma_start3A_342 : memref<50x32xf32, #tpu.memory_space<vmem>>) offsets(%dma_start3A_345 : memref<50xi32, #tpu.memory_space<vmem>>) semaphore(%arg12 : memref<!tpu.dma_semaphore, #tpu.memory_space<semaphore_mem>>)
    %dma_start3A_349 = arith.constant 11 : i32
    %dma_start3A_350 = arith.constant 11 : i32
    %dma_start3A_351 = arith.constant 0 : i32
    %dma_start3A_352 = arith.constant 0 : i32
    %dma_start3A_353 = tpu.memref_slice %arg8[%dma_start3A_350, %dma_start3A_351, %dma_start3A_352] : memref<16x50x32xf32, #tpu.memory_space<vmem>> -> memref<1x50x32xf32, #tpu.memory_space<vmem>>
    %dma_start3A_354 = tpu.memref_squeeze %dma_start3A_353 : memref<1x50x32xf32, #tpu.memory_space<vmem>> -> memref<50x32xf32, #tpu.memory_space<vmem>>
    %dma_start3A_355 = arith.constant 0 : i32
    %dma_start3A_356 = tpu.memref_slice %arg6[%dma_start3A_349, %dma_start3A_355] : memref<16x50xi32, #tpu.memory_space<vmem>> -> memref<1x50xi32, #tpu.memory_space<vmem>>
    %dma_start3A_357 = tpu.memref_squeeze %dma_start3A_356 : memref<1x50xi32, #tpu.memory_space<vmem>> -> memref<50xi32, #tpu.memory_space<vmem>>
    %dma_start3A_358 = arith.constant 0 : i32
    %dma_start3A_359 = arith.constant 0 : i32
    %dma_start3A_360 = tpu.memref_slice %arg2[%dma_start3A_358, %dma_start3A_359] : memref<1000000x32xf32, #tpu.memory_space<hbm>> -> memref<1000000x32xf32, #tpu.memory_space<hbm>>
    tpu.enqueue_indirect_dma source(%dma_start3A_360 : memref<1000000x32xf32, #tpu.memory_space<hbm>>) target(%dma_start3A_354 : memref<50x32xf32, #tpu.memory_space<vmem>>) offsets(%dma_start3A_357 : memref<50xi32, #tpu.memory_space<vmem>>) semaphore(%arg12 : memref<!tpu.dma_semaphore, #tpu.memory_space<semaphore_mem>>)
    %dma_start3A_361 = arith.constant 12 : i32
    %dma_start3A_362 = arith.constant 12 : i32
    %dma_start3A_363 = arith.constant 0 : i32
    %dma_start3A_364 = arith.constant 0 : i32
    %dma_start3A_365 = tpu.memref_slice %arg8[%dma_start3A_362, %dma_start3A_363, %dma_start3A_364] : memref<16x50x32xf32, #tpu.memory_space<vmem>> -> memref<1x50x32xf32, #tpu.memory_space<vmem>>
    %dma_start3A_366 = tpu.memref_squeeze %dma_start3A_365 : memref<1x50x32xf32, #tpu.memory_space<vmem>> -> memref<50x32xf32, #tpu.memory_space<vmem>>
    %dma_start3A_367 = arith.constant 0 : i32
    %dma_start3A_368 = tpu.memref_slice %arg6[%dma_start3A_361, %dma_start3A_367] : memref<16x50xi32, #tpu.memory_space<vmem>> -> memref<1x50xi32, #tpu.memory_space<vmem>>
    %dma_start3A_369 = tpu.memref_squeeze %dma_start3A_368 : memref<1x50xi32, #tpu.memory_space<vmem>> -> memref<50xi32, #tpu.memory_space<vmem>>
    %dma_start3A_370 = arith.constant 0 : i32
    %dma_start3A_371 = arith.constant 0 : i32
    %dma_start3A_372 = tpu.memref_slice %arg2[%dma_start3A_370, %dma_start3A_371] : memref<1000000x32xf32, #tpu.memory_space<hbm>> -> memref<1000000x32xf32, #tpu.memory_space<hbm>>
    tpu.enqueue_indirect_dma source(%dma_start3A_372 : memref<1000000x32xf32, #tpu.memory_space<hbm>>) target(%dma_start3A_366 : memref<50x32xf32, #tpu.memory_space<vmem>>) offsets(%dma_start3A_369 : memref<50xi32, #tpu.memory_space<vmem>>) semaphore(%arg12 : memref<!tpu.dma_semaphore, #tpu.memory_space<semaphore_mem>>)
    %dma_start3A_373 = arith.constant 13 : i32
    %dma_start3A_374 = arith.constant 13 : i32
    %dma_start3A_375 = arith.constant 0 : i32
    %dma_start3A_376 = arith.constant 0 : i32
    %dma_start3A_377 = tpu.memref_slice %arg8[%dma_start3A_374, %dma_start3A_375, %dma_start3A_376] : memref<16x50x32xf32, #tpu.memory_space<vmem>> -> memref<1x50x32xf32, #tpu.memory_space<vmem>>
    %dma_start3A_378 = tpu.memref_squeeze %dma_start3A_377 : memref<1x50x32xf32, #tpu.memory_space<vmem>> -> memref<50x32xf32, #tpu.memory_space<vmem>>
    %dma_start3A_379 = arith.constant 0 : i32
    %dma_start3A_380 = tpu.memref_slice %arg6[%dma_start3A_373, %dma_start3A_379] : memref<16x50xi32, #tpu.memory_space<vmem>> -> memref<1x50xi32, #tpu.memory_space<vmem>>
    %dma_start3A_381 = tpu.memref_squeeze %dma_start3A_380 : memref<1x50xi32, #tpu.memory_space<vmem>> -> memref<50xi32, #tpu.memory_space<vmem>>
    %dma_start3A_382 = arith.constant 0 : i32
    %dma_start3A_383 = arith.constant 0 : i32
    %dma_start3A_384 = tpu.memref_slice %arg2[%dma_start3A_382, %dma_start3A_383] : memref<1000000x32xf32, #tpu.memory_space<hbm>> -> memref<1000000x32xf32, #tpu.memory_space<hbm>>
    tpu.enqueue_indirect_dma source(%dma_start3A_384 : memref<1000000x32xf32, #tpu.memory_space<hbm>>) target(%dma_start3A_378 : memref<50x32xf32, #tpu.memory_space<vmem>>) offsets(%dma_start3A_381 : memref<50xi32, #tpu.memory_space<vmem>>) semaphore(%arg12 : memref<!tpu.dma_semaphore, #tpu.memory_space<semaphore_mem>>)
    %dma_start3A_385 = arith.constant 14 : i32
    %dma_start3A_386 = arith.constant 14 : i32
    %dma_start3A_387 = arith.constant 0 : i32
    %dma_start3A_388 = arith.constant 0 : i32
    %dma_start3A_389 = tpu.memref_slice %arg8[%dma_start3A_386, %dma_start3A_387, %dma_start3A_388] : memref<16x50x32xf32, #tpu.memory_space<vmem>> -> memref<1x50x32xf32, #tpu.memory_space<vmem>>
    %dma_start3A_390 = tpu.memref_squeeze %dma_start3A_389 : memref<1x50x32xf32, #tpu.memory_space<vmem>> -> memref<50x32xf32, #tpu.memory_space<vmem>>
    %dma_start3A_391 = arith.constant 0 : i32
    %dma_start3A_392 = tpu.memref_slice %arg6[%dma_start3A_385, %dma_start3A_391] : memref<16x50xi32, #tpu.memory_space<vmem>> -> memref<1x50xi32, #tpu.memory_space<vmem>>
    %dma_start3A_393 = tpu.memref_squeeze %dma_start3A_392 : memref<1x50xi32, #tpu.memory_space<vmem>> -> memref<50xi32, #tpu.memory_space<vmem>>
    %dma_start3A_394 = arith.constant 0 : i32
    %dma_start3A_395 = arith.constant 0 : i32
    %dma_start3A_396 = tpu.memref_slice %arg2[%dma_start3A_394, %dma_start3A_395] : memref<1000000x32xf32, #tpu.memory_space<hbm>> -> memref<1000000x32xf32, #tpu.memory_space<hbm>>
    tpu.enqueue_indirect_dma source(%dma_start3A_396 : memref<1000000x32xf32, #tpu.memory_space<hbm>>) target(%dma_start3A_390 : memref<50x32xf32, #tpu.memory_space<vmem>>) offsets(%dma_start3A_393 : memref<50xi32, #tpu.memory_space<vmem>>) semaphore(%arg12 : memref<!tpu.dma_semaphore, #tpu.memory_space<semaphore_mem>>)
    %dma_start3A_397 = arith.constant 15 : i32
    %dma_start3A_398 = arith.constant 15 : i32
    %dma_start3A_399 = arith.constant 0 : i32
    %dma_start3A_400 = arith.constant 0 : i32
    %dma_start3A_401 = tpu.memref_slice %arg8[%dma_start3A_398, %dma_start3A_399, %dma_start3A_400] : memref<16x50x32xf32, #tpu.memory_space<vmem>> -> memref<1x50x32xf32, #tpu.memory_space<vmem>>
    %dma_start3A_402 = tpu.memref_squeeze %dma_start3A_401 : memref<1x50x32xf32, #tpu.memory_space<vmem>> -> memref<50x32xf32, #tpu.memory_space<vmem>>
    %dma_start3A_403 = arith.constant 0 : i32
    %dma_start3A_404 = tpu.memref_slice %arg6[%dma_start3A_397, %dma_start3A_403] : memref<16x50xi32, #tpu.memory_space<vmem>> -> memref<1x50xi32, #tpu.memory_space<vmem>>
    %dma_start3A_405 = tpu.memref_squeeze %dma_start3A_404 : memref<1x50xi32, #tpu.memory_space<vmem>> -> memref<50xi32, #tpu.memory_space<vmem>>
    %dma_start3A_406 = arith.constant 0 : i32
    %dma_start3A_407 = arith.constant 0 : i32
    %dma_start3A_408 = tpu.memref_slice %arg2[%dma_start3A_406, %dma_start3A_407] : memref<1000000x32xf32, #tpu.memory_space<hbm>> -> memref<1000000x32xf32, #tpu.memory_space<hbm>>
    tpu.enqueue_indirect_dma source(%dma_start3A_408 : memref<1000000x32xf32, #tpu.memory_space<hbm>>) target(%dma_start3A_402 : memref<50x32xf32, #tpu.memory_space<vmem>>) offsets(%dma_start3A_405 : memref<50xi32, #tpu.memory_space<vmem>>) semaphore(%arg12 : memref<!tpu.dma_semaphore, #tpu.memory_space<semaphore_mem>>)
    %dma_wait3A_409 = arith.constant 0 : i32
    %dma_wait3A_410 = arith.constant 0 : i32
    %dma_wait3A_411 = arith.constant 0 : i32
    %dma_wait3A_412 = tpu.memref_slice %arg4[%dma_wait3A_409, %dma_wait3A_410, %dma_wait3A_411] : memref<16384x50x32xf32, #tpu.memory_space<hbm>> -> memref<16x50x32xf32, #tpu.memory_space<hbm>>
    %dma_wait3A_413 = arith.constant 0 : i32
    %dma_wait3A_414 = arith.constant 0 : i32
    %dma_wait3A_415 = arith.constant 0 : i32
    %dma_wait3A_416 = tpu.memref_slice %arg4[%dma_wait3A_413, %dma_wait3A_414, %dma_wait3A_415] : memref<16384x50x32xf32, #tpu.memory_space<hbm>> -> memref<16x50x32xf32, #tpu.memory_space<hbm>>
    tpu.wait_dma2 semaphore(%arg11 : memref<!tpu.dma_semaphore, #tpu.memory_space<semaphore_mem>>) src(%dma_wait3A_416 : memref<16x50x32xf32, #tpu.memory_space<hbm>>) dst(%arg7 : memref<16x50x32xf32, #tpu.memory_space<vmem>>)
    %add3A_417 = arith.constant 0 : i32
    %add3A_418 = arith.addi %mul3A_2, %add3A_417 : i32
    %dma_start3A_419 = arith.constant 0 : i32
    %dma_start3A_420 = arith.constant 0 : i32
    %dma_start3A_421 = tpu.memref_slice %arg4[%add3A_418, %dma_start3A_419, %dma_start3A_420] : memref<16384x50x32xf32, #tpu.memory_space<hbm>> -> memref<16x50x32xf32, #tpu.memory_space<hbm>>
    %dma_start3A_422 = arith.constant 0 : i32
    %dma_start3A_423 = arith.constant 0 : i32
    %dma_start3A_424 = tpu.memref_slice %arg4[%add3A_418, %dma_start3A_422, %dma_start3A_423] : memref<16384x50x32xf32, #tpu.memory_space<hbm>> -> memref<16x50x32xf32, #tpu.memory_space<hbm>>
    tpu.enqueue_dma source(%arg7 : memref<16x50x32xf32, #tpu.memory_space<vmem>>) target(%dma_start3A_424 : memref<16x50x32xf32, #tpu.memory_space<hbm>>) target_semaphore(%arg13 : memref<!tpu.dma_semaphore, #tpu.memory_space<semaphore_mem>>)
    %add3A_425 = arith.constant 32 : i32
    %add3A_426 = arith.addi %mul3A_2, %add3A_425 : i32
    %dma_start3A_427 = arith.constant 0 : i32
    %dma_start3A_428 = tpu.memref_slice %arg3[%add3A_426, %dma_start3A_427] : memref<16384x50xi32, #tpu.memory_space<hbm>> -> memref<16x50xi32, #tpu.memory_space<hbm>>
    %dma_start3A_429 = arith.constant 0 : i32
    %dma_start3A_430 = tpu.memref_slice %arg3[%add3A_426, %dma_start3A_429] : memref<16384x50xi32, #tpu.memory_space<hbm>> -> memref<16x50xi32, #tpu.memory_space<hbm>>
    tpu.enqueue_dma source(%dma_start3A_430 : memref<16x50xi32, #tpu.memory_space<hbm>>) target(%arg5 : memref<16x50xi32, #tpu.memory_space<vmem>>) target_semaphore(%arg9 : memref<!tpu.dma_semaphore, #tpu.memory_space<semaphore_mem>>)
    %scan3A = arith.constant 0 : i32
    %scan3A_431 = arith.constant 0 : i32
    %scan3A_432 = arith.constant 15 : i32
    %scan3A_433 = arith.addi %scan3A_431, %scan3A_432 : i32
    %scan3A_434 = arith.constant 1 : i32
    scf.for %scan3A_474 = %scan3A_431 to %scan3A_433 step %scan3A_434  : i32 {
      %mul3A_475 = arith.constant 2 : i32
      %mul3A_476 = arith.muli %mul3A_475, %scan3A_474 : i32
      %add3A_477 = arith.constant 2 : i32
      %add3A_478 = arith.addi %add3A_477, %mul3A_476 : i32
      %dma_wait3A_479 = arith.constant 0 : i32
      %dma_wait3A_480 = arith.constant 0 : i32
      %dma_wait3A_481 = tpu.memref_slice %arg3[%dma_wait3A_479, %dma_wait3A_480] : memref<16384x50xi32, #tpu.memory_space<hbm>> -> memref<16x50xi32, #tpu.memory_space<hbm>>
      %dma_wait3A_482 = arith.constant 0 : i32
      %dma_wait3A_483 = arith.constant 0 : i32
      %dma_wait3A_484 = tpu.memref_slice %arg3[%dma_wait3A_482, %dma_wait3A_483] : memref<16384x50xi32, #tpu.memory_space<hbm>> -> memref<16x50xi32, #tpu.memory_space<hbm>>
      tpu.wait_dma2 semaphore(%arg9 : memref<!tpu.dma_semaphore, #tpu.memory_space<semaphore_mem>>) src(%dma_wait3A_484 : memref<16x50xi32, #tpu.memory_space<hbm>>) dst(%arg5 : memref<16x50xi32, #tpu.memory_space<vmem>>)
      %dma_wait3A_485 = arith.constant 0 : i32
      %dma_wait3A_486 = arith.constant 0 : i32
      %dma_wait3A_487 = arith.constant 0 : i32
      %dma_wait3A_488 = tpu.memref_slice %arg4[%dma_wait3A_485, %dma_wait3A_486, %dma_wait3A_487] : memref<16384x50x32xf32, #tpu.memory_space<hbm>> -> memref<16x50x32xf32, #tpu.memory_space<hbm>>
      %dma_wait3A_489 = arith.constant 0 : i32
      %dma_wait3A_490 = arith.constant 0 : i32
      %dma_wait3A_491 = arith.constant 0 : i32
      %dma_wait3A_492 = tpu.memref_slice %arg4[%dma_wait3A_489, %dma_wait3A_490, %dma_wait3A_491] : memref<16384x50x32xf32, #tpu.memory_space<hbm>> -> memref<16x50x32xf32, #tpu.memory_space<hbm>>
      tpu.wait_dma2 semaphore(%arg13 : memref<!tpu.dma_semaphore, #tpu.memory_space<semaphore_mem>>) src(%arg7 : memref<16x50x32xf32, #tpu.memory_space<vmem>>) dst(%dma_wait3A_492 : memref<16x50x32xf32, #tpu.memory_space<hbm>>)
      %dma_start3A_493 = arith.constant 0 : i32
      %dma_start3A_494 = arith.constant 0 : i32
      %dma_start3A_495 = arith.constant 0 : i32
      %dma_start3A_496 = arith.constant 0 : i32
      %dma_start3A_497 = tpu.memref_slice %arg7[%dma_start3A_494, %dma_start3A_495, %dma_start3A_496] : memref<16x50x32xf32, #tpu.memory_space<vmem>> -> memref<1x50x32xf32, #tpu.memory_space<vmem>>
      %dma_start3A_498 = tpu.memref_squeeze %dma_start3A_497 : memref<1x50x32xf32, #tpu.memory_space<vmem>> -> memref<50x32xf32, #tpu.memory_space<vmem>>
      %dma_start3A_499 = arith.constant 0 : i32
      %dma_start3A_500 = tpu.memref_slice %arg5[%dma_start3A_493, %dma_start3A_499] : memref<16x50xi32, #tpu.memory_space<vmem>> -> memref<1x50xi32, #tpu.memory_space<vmem>>
      %dma_start3A_501 = tpu.memref_squeeze %dma_start3A_500 : memref<1x50xi32, #tpu.memory_space<vmem>> -> memref<50xi32, #tpu.memory_space<vmem>>
      %dma_start3A_502 = arith.constant 0 : i32
      %dma_start3A_503 = arith.constant 0 : i32
      %dma_start3A_504 = tpu.memref_slice %arg2[%dma_start3A_502, %dma_start3A_503] : memref<1000000x32xf32, #tpu.memory_space<hbm>> -> memref<1000000x32xf32, #tpu.memory_space<hbm>>
      tpu.enqueue_indirect_dma source(%dma_start3A_504 : memref<1000000x32xf32, #tpu.memory_space<hbm>>) target(%dma_start3A_498 : memref<50x32xf32, #tpu.memory_space<vmem>>) offsets(%dma_start3A_501 : memref<50xi32, #tpu.memory_space<vmem>>) semaphore(%arg11 : memref<!tpu.dma_semaphore, #tpu.memory_space<semaphore_mem>>)
      %dma_start3A_505 = arith.constant 1 : i32
      %dma_start3A_506 = arith.constant 1 : i32
      %dma_start3A_507 = arith.constant 0 : i32
      %dma_start3A_508 = arith.constant 0 : i32
      %dma_start3A_509 = tpu.memref_slice %arg7[%dma_start3A_506, %dma_start3A_507, %dma_start3A_508] : memref<16x50x32xf32, #tpu.memory_space<vmem>> -> memref<1x50x32xf32, #tpu.memory_space<vmem>>
      %dma_start3A_510 = tpu.memref_squeeze %dma_start3A_509 : memref<1x50x32xf32, #tpu.memory_space<vmem>> -> memref<50x32xf32, #tpu.memory_space<vmem>>
      %dma_start3A_511 = arith.constant 0 : i32
      %dma_start3A_512 = tpu.memref_slice %arg5[%dma_start3A_505, %dma_start3A_511] : memref<16x50xi32, #tpu.memory_space<vmem>> -> memref<1x50xi32, #tpu.memory_space<vmem>>
      %dma_start3A_513 = tpu.memref_squeeze %dma_start3A_512 : memref<1x50xi32, #tpu.memory_space<vmem>> -> memref<50xi32, #tpu.memory_space<vmem>>
      %dma_start3A_514 = arith.constant 0 : i32
      %dma_start3A_515 = arith.constant 0 : i32
      %dma_start3A_516 = tpu.memref_slice %arg2[%dma_start3A_514, %dma_start3A_515] : memref<1000000x32xf32, #tpu.memory_space<hbm>> -> memref<1000000x32xf32, #tpu.memory_space<hbm>>
      tpu.enqueue_indirect_dma source(%dma_start3A_516 : memref<1000000x32xf32, #tpu.memory_space<hbm>>) target(%dma_start3A_510 : memref<50x32xf32, #tpu.memory_space<vmem>>) offsets(%dma_start3A_513 : memref<50xi32, #tpu.memory_space<vmem>>) semaphore(%arg11 : memref<!tpu.dma_semaphore, #tpu.memory_space<semaphore_mem>>)
      %dma_start3A_517 = arith.constant 2 : i32
      %dma_start3A_518 = arith.constant 2 : i32
      %dma_start3A_519 = arith.constant 0 : i32
      %dma_start3A_520 = arith.constant 0 : i32
      %dma_start3A_521 = tpu.memref_slice %arg7[%dma_start3A_518, %dma_start3A_519, %dma_start3A_520] : memref<16x50x32xf32, #tpu.memory_space<vmem>> -> memref<1x50x32xf32, #tpu.memory_space<vmem>>
      %dma_start3A_522 = tpu.memref_squeeze %dma_start3A_521 : memref<1x50x32xf32, #tpu.memory_space<vmem>> -> memref<50x32xf32, #tpu.memory_space<vmem>>
      %dma_start3A_523 = arith.constant 0 : i32
      %dma_start3A_524 = tpu.memref_slice %arg5[%dma_start3A_517, %dma_start3A_523] : memref<16x50xi32, #tpu.memory_space<vmem>> -> memref<1x50xi32, #tpu.memory_space<vmem>>
      %dma_start3A_525 = tpu.memref_squeeze %dma_start3A_524 : memref<1x50xi32, #tpu.memory_space<vmem>> -> memref<50xi32, #tpu.memory_space<vmem>>
      %dma_start3A_526 = arith.constant 0 : i32
      %dma_start3A_527 = arith.constant 0 : i32
      %dma_start3A_528 = tpu.memref_slice %arg2[%dma_start3A_526, %dma_start3A_527] : memref<1000000x32xf32, #tpu.memory_space<hbm>> -> memref<1000000x32xf32, #tpu.memory_space<hbm>>
      tpu.enqueue_indirect_dma source(%dma_start3A_528 : memref<1000000x32xf32, #tpu.memory_space<hbm>>) target(%dma_start3A_522 : memref<50x32xf32, #tpu.memory_space<vmem>>) offsets(%dma_start3A_525 : memref<50xi32, #tpu.memory_space<vmem>>) semaphore(%arg11 : memref<!tpu.dma_semaphore, #tpu.memory_space<semaphore_mem>>)
      %dma_start3A_529 = arith.constant 3 : i32
      %dma_start3A_530 = arith.constant 3 : i32
      %dma_start3A_531 = arith.constant 0 : i32
      %dma_start3A_532 = arith.constant 0 : i32
      %dma_start3A_533 = tpu.memref_slice %arg7[%dma_start3A_530, %dma_start3A_531, %dma_start3A_532] : memref<16x50x32xf32, #tpu.memory_space<vmem>> -> memref<1x50x32xf32, #tpu.memory_space<vmem>>
      %dma_start3A_534 = tpu.memref_squeeze %dma_start3A_533 : memref<1x50x32xf32, #tpu.memory_space<vmem>> -> memref<50x32xf32, #tpu.memory_space<vmem>>
      %dma_start3A_535 = arith.constant 0 : i32
      %dma_start3A_536 = tpu.memref_slice %arg5[%dma_start3A_529, %dma_start3A_535] : memref<16x50xi32, #tpu.memory_space<vmem>> -> memref<1x50xi32, #tpu.memory_space<vmem>>
      %dma_start3A_537 = tpu.memref_squeeze %dma_start3A_536 : memref<1x50xi32, #tpu.memory_space<vmem>> -> memref<50xi32, #tpu.memory_space<vmem>>
      %dma_start3A_538 = arith.constant 0 : i32
      %dma_start3A_539 = arith.constant 0 : i32
      %dma_start3A_540 = tpu.memref_slice %arg2[%dma_start3A_538, %dma_start3A_539] : memref<1000000x32xf32, #tpu.memory_space<hbm>> -> memref<1000000x32xf32, #tpu.memory_space<hbm>>
      tpu.enqueue_indirect_dma source(%dma_start3A_540 : memref<1000000x32xf32, #tpu.memory_space<hbm>>) target(%dma_start3A_534 : memref<50x32xf32, #tpu.memory_space<vmem>>) offsets(%dma_start3A_537 : memref<50xi32, #tpu.memory_space<vmem>>) semaphore(%arg11 : memref<!tpu.dma_semaphore, #tpu.memory_space<semaphore_mem>>)
      %dma_start3A_541 = arith.constant 4 : i32
      %dma_start3A_542 = arith.constant 4 : i32
      %dma_start3A_543 = arith.constant 0 : i32
      %dma_start3A_544 = arith.constant 0 : i32
      %dma_start3A_545 = tpu.memref_slice %arg7[%dma_start3A_542, %dma_start3A_543, %dma_start3A_544] : memref<16x50x32xf32, #tpu.memory_space<vmem>> -> memref<1x50x32xf32, #tpu.memory_space<vmem>>
      %dma_start3A_546 = tpu.memref_squeeze %dma_start3A_545 : memref<1x50x32xf32, #tpu.memory_space<vmem>> -> memref<50x32xf32, #tpu.memory_space<vmem>>
      %dma_start3A_547 = arith.constant 0 : i32
      %dma_start3A_548 = tpu.memref_slice %arg5[%dma_start3A_541, %dma_start3A_547] : memref<16x50xi32, #tpu.memory_space<vmem>> -> memref<1x50xi32, #tpu.memory_space<vmem>>
      %dma_start3A_549 = tpu.memref_squeeze %dma_start3A_548 : memref<1x50xi32, #tpu.memory_space<vmem>> -> memref<50xi32, #tpu.memory_space<vmem>>
      %dma_start3A_550 = arith.constant 0 : i32
      %dma_start3A_551 = arith.constant 0 : i32
      %dma_start3A_552 = tpu.memref_slice %arg2[%dma_start3A_550, %dma_start3A_551] : memref<1000000x32xf32, #tpu.memory_space<hbm>> -> memref<1000000x32xf32, #tpu.memory_space<hbm>>
      tpu.enqueue_indirect_dma source(%dma_start3A_552 : memref<1000000x32xf32, #tpu.memory_space<hbm>>) target(%dma_start3A_546 : memref<50x32xf32, #tpu.memory_space<vmem>>) offsets(%dma_start3A_549 : memref<50xi32, #tpu.memory_space<vmem>>) semaphore(%arg11 : memref<!tpu.dma_semaphore, #tpu.memory_space<semaphore_mem>>)
      %dma_start3A_553 = arith.constant 5 : i32
      %dma_start3A_554 = arith.constant 5 : i32
      %dma_start3A_555 = arith.constant 0 : i32
      %dma_start3A_556 = arith.constant 0 : i32
      %dma_start3A_557 = tpu.memref_slice %arg7[%dma_start3A_554, %dma_start3A_555, %dma_start3A_556] : memref<16x50x32xf32, #tpu.memory_space<vmem>> -> memref<1x50x32xf32, #tpu.memory_space<vmem>>
      %dma_start3A_558 = tpu.memref_squeeze %dma_start3A_557 : memref<1x50x32xf32, #tpu.memory_space<vmem>> -> memref<50x32xf32, #tpu.memory_space<vmem>>
      %dma_start3A_559 = arith.constant 0 : i32
      %dma_start3A_560 = tpu.memref_slice %arg5[%dma_start3A_553, %dma_start3A_559] : memref<16x50xi32, #tpu.memory_space<vmem>> -> memref<1x50xi32, #tpu.memory_space<vmem>>
      %dma_start3A_561 = tpu.memref_squeeze %dma_start3A_560 : memref<1x50xi32, #tpu.memory_space<vmem>> -> memref<50xi32, #tpu.memory_space<vmem>>
      %dma_start3A_562 = arith.constant 0 : i32
      %dma_start3A_563 = arith.constant 0 : i32
      %dma_start3A_564 = tpu.memref_slice %arg2[%dma_start3A_562, %dma_start3A_563] : memref<1000000x32xf32, #tpu.memory_space<hbm>> -> memref<1000000x32xf32, #tpu.memory_space<hbm>>
      tpu.enqueue_indirect_dma source(%dma_start3A_564 : memref<1000000x32xf32, #tpu.memory_space<hbm>>) target(%dma_start3A_558 : memref<50x32xf32, #tpu.memory_space<vmem>>) offsets(%dma_start3A_561 : memref<50xi32, #tpu.memory_space<vmem>>) semaphore(%arg11 : memref<!tpu.dma_semaphore, #tpu.memory_space<semaphore_mem>>)
      %dma_start3A_565 = arith.constant 6 : i32
      %dma_start3A_566 = arith.constant 6 : i32
      %dma_start3A_567 = arith.constant 0 : i32
      %dma_start3A_568 = arith.constant 0 : i32
      %dma_start3A_569 = tpu.memref_slice %arg7[%dma_start3A_566, %dma_start3A_567, %dma_start3A_568] : memref<16x50x32xf32, #tpu.memory_space<vmem>> -> memref<1x50x32xf32, #tpu.memory_space<vmem>>
      %dma_start3A_570 = tpu.memref_squeeze %dma_start3A_569 : memref<1x50x32xf32, #tpu.memory_space<vmem>> -> memref<50x32xf32, #tpu.memory_space<vmem>>
      %dma_start3A_571 = arith.constant 0 : i32
      %dma_start3A_572 = tpu.memref_slice %arg5[%dma_start3A_565, %dma_start3A_571] : memref<16x50xi32, #tpu.memory_space<vmem>> -> memref<1x50xi32, #tpu.memory_space<vmem>>
      %dma_start3A_573 = tpu.memref_squeeze %dma_start3A_572 : memref<1x50xi32, #tpu.memory_space<vmem>> -> memref<50xi32, #tpu.memory_space<vmem>>
      %dma_start3A_574 = arith.constant 0 : i32
      %dma_start3A_575 = arith.constant 0 : i32
      %dma_start3A_576 = tpu.memref_slice %arg2[%dma_start3A_574, %dma_start3A_575] : memref<1000000x32xf32, #tpu.memory_space<hbm>> -> memref<1000000x32xf32, #tpu.memory_space<hbm>>
      tpu.enqueue_indirect_dma source(%dma_start3A_576 : memref<1000000x32xf32, #tpu.memory_space<hbm>>) target(%dma_start3A_570 : memref<50x32xf32, #tpu.memory_space<vmem>>) offsets(%dma_start3A_573 : memref<50xi32, #tpu.memory_space<vmem>>) semaphore(%arg11 : memref<!tpu.dma_semaphore, #tpu.memory_space<semaphore_mem>>)
      %dma_start3A_577 = arith.constant 7 : i32
      %dma_start3A_578 = arith.constant 7 : i32
      %dma_start3A_579 = arith.constant 0 : i32
      %dma_start3A_580 = arith.constant 0 : i32
      %dma_start3A_581 = tpu.memref_slice %arg7[%dma_start3A_578, %dma_start3A_579, %dma_start3A_580] : memref<16x50x32xf32, #tpu.memory_space<vmem>> -> memref<1x50x32xf32, #tpu.memory_space<vmem>>
      %dma_start3A_582 = tpu.memref_squeeze %dma_start3A_581 : memref<1x50x32xf32, #tpu.memory_space<vmem>> -> memref<50x32xf32, #tpu.memory_space<vmem>>
      %dma_start3A_583 = arith.constant 0 : i32
      %dma_start3A_584 = tpu.memref_slice %arg5[%dma_start3A_577, %dma_start3A_583] : memref<16x50xi32, #tpu.memory_space<vmem>> -> memref<1x50xi32, #tpu.memory_space<vmem>>
      %dma_start3A_585 = tpu.memref_squeeze %dma_start3A_584 : memref<1x50xi32, #tpu.memory_space<vmem>> -> memref<50xi32, #tpu.memory_space<vmem>>
      %dma_start3A_586 = arith.constant 0 : i32
      %dma_start3A_587 = arith.constant 0 : i32
      %dma_start3A_588 = tpu.memref_slice %arg2[%dma_start3A_586, %dma_start3A_587] : memref<1000000x32xf32, #tpu.memory_space<hbm>> -> memref<1000000x32xf32, #tpu.memory_space<hbm>>
      tpu.enqueue_indirect_dma source(%dma_start3A_588 : memref<1000000x32xf32, #tpu.memory_space<hbm>>) target(%dma_start3A_582 : memref<50x32xf32, #tpu.memory_space<vmem>>) offsets(%dma_start3A_585 : memref<50xi32, #tpu.memory_space<vmem>>) semaphore(%arg11 : memref<!tpu.dma_semaphore, #tpu.memory_space<semaphore_mem>>)
      %dma_start3A_589 = arith.constant 8 : i32
      %dma_start3A_590 = arith.constant 8 : i32
      %dma_start3A_591 = arith.constant 0 : i32
      %dma_start3A_592 = arith.constant 0 : i32
      %dma_start3A_593 = tpu.memref_slice %arg7[%dma_start3A_590, %dma_start3A_591, %dma_start3A_592] : memref<16x50x32xf32, #tpu.memory_space<vmem>> -> memref<1x50x32xf32, #tpu.memory_space<vmem>>
      %dma_start3A_594 = tpu.memref_squeeze %dma_start3A_593 : memref<1x50x32xf32, #tpu.memory_space<vmem>> -> memref<50x32xf32, #tpu.memory_space<vmem>>
      %dma_start3A_595 = arith.constant 0 : i32
      %dma_start3A_596 = tpu.memref_slice %arg5[%dma_start3A_589, %dma_start3A_595] : memref<16x50xi32, #tpu.memory_space<vmem>> -> memref<1x50xi32, #tpu.memory_space<vmem>>
      %dma_start3A_597 = tpu.memref_squeeze %dma_start3A_596 : memref<1x50xi32, #tpu.memory_space<vmem>> -> memref<50xi32, #tpu.memory_space<vmem>>
      %dma_start3A_598 = arith.constant 0 : i32
      %dma_start3A_599 = arith.constant 0 : i32
      %dma_start3A_600 = tpu.memref_slice %arg2[%dma_start3A_598, %dma_start3A_599] : memref<1000000x32xf32, #tpu.memory_space<hbm>> -> memref<1000000x32xf32, #tpu.memory_space<hbm>>
      tpu.enqueue_indirect_dma source(%dma_start3A_600 : memref<1000000x32xf32, #tpu.memory_space<hbm>>) target(%dma_start3A_594 : memref<50x32xf32, #tpu.memory_space<vmem>>) offsets(%dma_start3A_597 : memref<50xi32, #tpu.memory_space<vmem>>) semaphore(%arg11 : memref<!tpu.dma_semaphore, #tpu.memory_space<semaphore_mem>>)
      %dma_start3A_601 = arith.constant 9 : i32
      %dma_start3A_602 = arith.constant 9 : i32
      %dma_start3A_603 = arith.constant 0 : i32
      %dma_start3A_604 = arith.constant 0 : i32
      %dma_start3A_605 = tpu.memref_slice %arg7[%dma_start3A_602, %dma_start3A_603, %dma_start3A_604] : memref<16x50x32xf32, #tpu.memory_space<vmem>> -> memref<1x50x32xf32, #tpu.memory_space<vmem>>
      %dma_start3A_606 = tpu.memref_squeeze %dma_start3A_605 : memref<1x50x32xf32, #tpu.memory_space<vmem>> -> memref<50x32xf32, #tpu.memory_space<vmem>>
      %dma_start3A_607 = arith.constant 0 : i32
      %dma_start3A_608 = tpu.memref_slice %arg5[%dma_start3A_601, %dma_start3A_607] : memref<16x50xi32, #tpu.memory_space<vmem>> -> memref<1x50xi32, #tpu.memory_space<vmem>>
      %dma_start3A_609 = tpu.memref_squeeze %dma_start3A_608 : memref<1x50xi32, #tpu.memory_space<vmem>> -> memref<50xi32, #tpu.memory_space<vmem>>
      %dma_start3A_610 = arith.constant 0 : i32
      %dma_start3A_611 = arith.constant 0 : i32
      %dma_start3A_612 = tpu.memref_slice %arg2[%dma_start3A_610, %dma_start3A_611] : memref<1000000x32xf32, #tpu.memory_space<hbm>> -> memref<1000000x32xf32, #tpu.memory_space<hbm>>
      tpu.enqueue_indirect_dma source(%dma_start3A_612 : memref<1000000x32xf32, #tpu.memory_space<hbm>>) target(%dma_start3A_606 : memref<50x32xf32, #tpu.memory_space<vmem>>) offsets(%dma_start3A_609 : memref<50xi32, #tpu.memory_space<vmem>>) semaphore(%arg11 : memref<!tpu.dma_semaphore, #tpu.memory_space<semaphore_mem>>)
      %dma_start3A_613 = arith.constant 10 : i32
      %dma_start3A_614 = arith.constant 10 : i32
      %dma_start3A_615 = arith.constant 0 : i32
      %dma_start3A_616 = arith.constant 0 : i32
      %dma_start3A_617 = tpu.memref_slice %arg7[%dma_start3A_614, %dma_start3A_615, %dma_start3A_616] : memref<16x50x32xf32, #tpu.memory_space<vmem>> -> memref<1x50x32xf32, #tpu.memory_space<vmem>>
      %dma_start3A_618 = tpu.memref_squeeze %dma_start3A_617 : memref<1x50x32xf32, #tpu.memory_space<vmem>> -> memref<50x32xf32, #tpu.memory_space<vmem>>
      %dma_start3A_619 = arith.constant 0 : i32
      %dma_start3A_620 = tpu.memref_slice %arg5[%dma_start3A_613, %dma_start3A_619] : memref<16x50xi32, #tpu.memory_space<vmem>> -> memref<1x50xi32, #tpu.memory_space<vmem>>
      %dma_start3A_621 = tpu.memref_squeeze %dma_start3A_620 : memref<1x50xi32, #tpu.memory_space<vmem>> -> memref<50xi32, #tpu.memory_space<vmem>>
      %dma_start3A_622 = arith.constant 0 : i32
      %dma_start3A_623 = arith.constant 0 : i32
      %dma_start3A_624 = tpu.memref_slice %arg2[%dma_start3A_622, %dma_start3A_623] : memref<1000000x32xf32, #tpu.memory_space<hbm>> -> memref<1000000x32xf32, #tpu.memory_space<hbm>>
      tpu.enqueue_indirect_dma source(%dma_start3A_624 : memref<1000000x32xf32, #tpu.memory_space<hbm>>) target(%dma_start3A_618 : memref<50x32xf32, #tpu.memory_space<vmem>>) offsets(%dma_start3A_621 : memref<50xi32, #tpu.memory_space<vmem>>) semaphore(%arg11 : memref<!tpu.dma_semaphore, #tpu.memory_space<semaphore_mem>>)
      %dma_start3A_625 = arith.constant 11 : i32
      %dma_start3A_626 = arith.constant 11 : i32
      %dma_start3A_627 = arith.constant 0 : i32
      %dma_start3A_628 = arith.constant 0 : i32
      %dma_start3A_629 = tpu.memref_slice %arg7[%dma_start3A_626, %dma_start3A_627, %dma_start3A_628] : memref<16x50x32xf32, #tpu.memory_space<vmem>> -> memref<1x50x32xf32, #tpu.memory_space<vmem>>
      %dma_start3A_630 = tpu.memref_squeeze %dma_start3A_629 : memref<1x50x32xf32, #tpu.memory_space<vmem>> -> memref<50x32xf32, #tpu.memory_space<vmem>>
      %dma_start3A_631 = arith.constant 0 : i32
      %dma_start3A_632 = tpu.memref_slice %arg5[%dma_start3A_625, %dma_start3A_631] : memref<16x50xi32, #tpu.memory_space<vmem>> -> memref<1x50xi32, #tpu.memory_space<vmem>>
      %dma_start3A_633 = tpu.memref_squeeze %dma_start3A_632 : memref<1x50xi32, #tpu.memory_space<vmem>> -> memref<50xi32, #tpu.memory_space<vmem>>
      %dma_start3A_634 = arith.constant 0 : i32
      %dma_start3A_635 = arith.constant 0 : i32
      %dma_start3A_636 = tpu.memref_slice %arg2[%dma_start3A_634, %dma_start3A_635] : memref<1000000x32xf32, #tpu.memory_space<hbm>> -> memref<1000000x32xf32, #tpu.memory_space<hbm>>
      tpu.enqueue_indirect_dma source(%dma_start3A_636 : memref<1000000x32xf32, #tpu.memory_space<hbm>>) target(%dma_start3A_630 : memref<50x32xf32, #tpu.memory_space<vmem>>) offsets(%dma_start3A_633 : memref<50xi32, #tpu.memory_space<vmem>>) semaphore(%arg11 : memref<!tpu.dma_semaphore, #tpu.memory_space<semaphore_mem>>)
      %dma_start3A_637 = arith.constant 12 : i32
      %dma_start3A_638 = arith.constant 12 : i32
      %dma_start3A_639 = arith.constant 0 : i32
      %dma_start3A_640 = arith.constant 0 : i32
      %dma_start3A_641 = tpu.memref_slice %arg7[%dma_start3A_638, %dma_start3A_639, %dma_start3A_640] : memref<16x50x32xf32, #tpu.memory_space<vmem>> -> memref<1x50x32xf32, #tpu.memory_space<vmem>>
      %dma_start3A_642 = tpu.memref_squeeze %dma_start3A_641 : memref<1x50x32xf32, #tpu.memory_space<vmem>> -> memref<50x32xf32, #tpu.memory_space<vmem>>
      %dma_start3A_643 = arith.constant 0 : i32
      %dma_start3A_644 = tpu.memref_slice %arg5[%dma_start3A_637, %dma_start3A_643] : memref<16x50xi32, #tpu.memory_space<vmem>> -> memref<1x50xi32, #tpu.memory_space<vmem>>
      %dma_start3A_645 = tpu.memref_squeeze %dma_start3A_644 : memref<1x50xi32, #tpu.memory_space<vmem>> -> memref<50xi32, #tpu.memory_space<vmem>>
      %dma_start3A_646 = arith.constant 0 : i32
      %dma_start3A_647 = arith.constant 0 : i32
      %dma_start3A_648 = tpu.memref_slice %arg2[%dma_start3A_646, %dma_start3A_647] : memref<1000000x32xf32, #tpu.memory_space<hbm>> -> memref<1000000x32xf32, #tpu.memory_space<hbm>>
      tpu.enqueue_indirect_dma source(%dma_start3A_648 : memref<1000000x32xf32, #tpu.memory_space<hbm>>) target(%dma_start3A_642 : memref<50x32xf32, #tpu.memory_space<vmem>>) offsets(%dma_start3A_645 : memref<50xi32, #tpu.memory_space<vmem>>) semaphore(%arg11 : memref<!tpu.dma_semaphore, #tpu.memory_space<semaphore_mem>>)
      %dma_start3A_649 = arith.constant 13 : i32
      %dma_start3A_650 = arith.constant 13 : i32
      %dma_start3A_651 = arith.constant 0 : i32
      %dma_start3A_652 = arith.constant 0 : i32
      %dma_start3A_653 = tpu.memref_slice %arg7[%dma_start3A_650, %dma_start3A_651, %dma_start3A_652] : memref<16x50x32xf32, #tpu.memory_space<vmem>> -> memref<1x50x32xf32, #tpu.memory_space<vmem>>
      %dma_start3A_654 = tpu.memref_squeeze %dma_start3A_653 : memref<1x50x32xf32, #tpu.memory_space<vmem>> -> memref<50x32xf32, #tpu.memory_space<vmem>>
      %dma_start3A_655 = arith.constant 0 : i32
      %dma_start3A_656 = tpu.memref_slice %arg5[%dma_start3A_649, %dma_start3A_655] : memref<16x50xi32, #tpu.memory_space<vmem>> -> memref<1x50xi32, #tpu.memory_space<vmem>>
      %dma_start3A_657 = tpu.memref_squeeze %dma_start3A_656 : memref<1x50xi32, #tpu.memory_space<vmem>> -> memref<50xi32, #tpu.memory_space<vmem>>
      %dma_start3A_658 = arith.constant 0 : i32
      %dma_start3A_659 = arith.constant 0 : i32
      %dma_start3A_660 = tpu.memref_slice %arg2[%dma_start3A_658, %dma_start3A_659] : memref<1000000x32xf32, #tpu.memory_space<hbm>> -> memref<1000000x32xf32, #tpu.memory_space<hbm>>
      tpu.enqueue_indirect_dma source(%dma_start3A_660 : memref<1000000x32xf32, #tpu.memory_space<hbm>>) target(%dma_start3A_654 : memref<50x32xf32, #tpu.memory_space<vmem>>) offsets(%dma_start3A_657 : memref<50xi32, #tpu.memory_space<vmem>>) semaphore(%arg11 : memref<!tpu.dma_semaphore, #tpu.memory_space<semaphore_mem>>)
      %dma_start3A_661 = arith.constant 14 : i32
      %dma_start3A_662 = arith.constant 14 : i32
      %dma_start3A_663 = arith.constant 0 : i32
      %dma_start3A_664 = arith.constant 0 : i32
      %dma_start3A_665 = tpu.memref_slice %arg7[%dma_start3A_662, %dma_start3A_663, %dma_start3A_664] : memref<16x50x32xf32, #tpu.memory_space<vmem>> -> memref<1x50x32xf32, #tpu.memory_space<vmem>>
      %dma_start3A_666 = tpu.memref_squeeze %dma_start3A_665 : memref<1x50x32xf32, #tpu.memory_space<vmem>> -> memref<50x32xf32, #tpu.memory_space<vmem>>
      %dma_start3A_667 = arith.constant 0 : i32
      %dma_start3A_668 = tpu.memref_slice %arg5[%dma_start3A_661, %dma_start3A_667] : memref<16x50xi32, #tpu.memory_space<vmem>> -> memref<1x50xi32, #tpu.memory_space<vmem>>
      %dma_start3A_669 = tpu.memref_squeeze %dma_start3A_668 : memref<1x50xi32, #tpu.memory_space<vmem>> -> memref<50xi32, #tpu.memory_space<vmem>>
      %dma_start3A_670 = arith.constant 0 : i32
      %dma_start3A_671 = arith.constant 0 : i32
      %dma_start3A_672 = tpu.memref_slice %arg2[%dma_start3A_670, %dma_start3A_671] : memref<1000000x32xf32, #tpu.memory_space<hbm>> -> memref<1000000x32xf32, #tpu.memory_space<hbm>>
      tpu.enqueue_indirect_dma source(%dma_start3A_672 : memref<1000000x32xf32, #tpu.memory_space<hbm>>) target(%dma_start3A_666 : memref<50x32xf32, #tpu.memory_space<vmem>>) offsets(%dma_start3A_669 : memref<50xi32, #tpu.memory_space<vmem>>) semaphore(%arg11 : memref<!tpu.dma_semaphore, #tpu.memory_space<semaphore_mem>>)
      %dma_start3A_673 = arith.constant 15 : i32
      %dma_start3A_674 = arith.constant 15 : i32
      %dma_start3A_675 = arith.constant 0 : i32
      %dma_start3A_676 = arith.constant 0 : i32
      %dma_start3A_677 = tpu.memref_slice %arg7[%dma_start3A_674, %dma_start3A_675, %dma_start3A_676] : memref<16x50x32xf32, #tpu.memory_space<vmem>> -> memref<1x50x32xf32, #tpu.memory_space<vmem>>
      %dma_start3A_678 = tpu.memref_squeeze %dma_start3A_677 : memref<1x50x32xf32, #tpu.memory_space<vmem>> -> memref<50x32xf32, #tpu.memory_space<vmem>>
      %dma_start3A_679 = arith.constant 0 : i32
      %dma_start3A_680 = tpu.memref_slice %arg5[%dma_start3A_673, %dma_start3A_679] : memref<16x50xi32, #tpu.memory_space<vmem>> -> memref<1x50xi32, #tpu.memory_space<vmem>>
      %dma_start3A_681 = tpu.memref_squeeze %dma_start3A_680 : memref<1x50xi32, #tpu.memory_space<vmem>> -> memref<50xi32, #tpu.memory_space<vmem>>
      %dma_start3A_682 = arith.constant 0 : i32
      %dma_start3A_683 = arith.constant 0 : i32
      %dma_start3A_684 = tpu.memref_slice %arg2[%dma_start3A_682, %dma_start3A_683] : memref<1000000x32xf32, #tpu.memory_space<hbm>> -> memref<1000000x32xf32, #tpu.memory_space<hbm>>
      tpu.enqueue_indirect_dma source(%dma_start3A_684 : memref<1000000x32xf32, #tpu.memory_space<hbm>>) target(%dma_start3A_678 : memref<50x32xf32, #tpu.memory_space<vmem>>) offsets(%dma_start3A_681 : memref<50xi32, #tpu.memory_space<vmem>>) semaphore(%arg11 : memref<!tpu.dma_semaphore, #tpu.memory_space<semaphore_mem>>)
      %dma_wait3A_685 = arith.constant 0 : i32
      %dma_wait3A_686 = arith.constant 0 : i32
      %dma_wait3A_687 = arith.constant 0 : i32
      %dma_wait3A_688 = tpu.memref_slice %arg4[%dma_wait3A_685, %dma_wait3A_686, %dma_wait3A_687] : memref<16384x50x32xf32, #tpu.memory_space<hbm>> -> memref<16x50x32xf32, #tpu.memory_space<hbm>>
      %dma_wait3A_689 = arith.constant 0 : i32
      %dma_wait3A_690 = arith.constant 0 : i32
      %dma_wait3A_691 = arith.constant 0 : i32
      %dma_wait3A_692 = tpu.memref_slice %arg4[%dma_wait3A_689, %dma_wait3A_690, %dma_wait3A_691] : memref<16384x50x32xf32, #tpu.memory_space<hbm>> -> memref<16x50x32xf32, #tpu.memory_space<hbm>>
      tpu.wait_dma2 semaphore(%arg12 : memref<!tpu.dma_semaphore, #tpu.memory_space<semaphore_mem>>) src(%dma_wait3A_692 : memref<16x50x32xf32, #tpu.memory_space<hbm>>) dst(%arg8 : memref<16x50x32xf32, #tpu.memory_space<vmem>>)
      %sub3A = arith.constant 1 : i32
      %sub3A_693 = arith.subi %add3A_478, %sub3A : i32
      %mul3A_694 = arith.constant 16 : i32
      %mul3A_695 = arith.muli %sub3A_693, %mul3A_694 : i32
      %add3A_696 = arith.addi %mul3A_2, %mul3A_695 : i32
      %dma_start3A_697 = arith.constant 0 : i32
      %dma_start3A_698 = arith.constant 0 : i32
      %dma_start3A_699 = tpu.memref_slice %arg4[%add3A_696, %dma_start3A_697, %dma_start3A_698] : memref<16384x50x32xf32, #tpu.memory_space<hbm>> -> memref<16x50x32xf32, #tpu.memory_space<hbm>>
      %dma_start3A_700 = arith.constant 0 : i32
      %dma_start3A_701 = arith.constant 0 : i32
      %dma_start3A_702 = tpu.memref_slice %arg4[%add3A_696, %dma_start3A_700, %dma_start3A_701] : memref<16384x50x32xf32, #tpu.memory_space<hbm>> -> memref<16x50x32xf32, #tpu.memory_space<hbm>>
      tpu.enqueue_dma source(%arg8 : memref<16x50x32xf32, #tpu.memory_space<vmem>>) target(%dma_start3A_702 : memref<16x50x32xf32, #tpu.memory_space<hbm>>) target_semaphore(%arg14 : memref<!tpu.dma_semaphore, #tpu.memory_space<semaphore_mem>>)
      %add3A_703 = arith.constant 1 : i32
      %add3A_704 = arith.addi %add3A_478, %add3A_703 : i32
      %min3A = arith.constant 31 : i32
      %min3A_705 = arith.minsi %add3A_704, %min3A : i32
      %mul3A_706 = arith.constant 16 : i32
      %mul3A_707 = arith.muli %min3A_705, %mul3A_706 : i32
      %add3A_708 = arith.addi %mul3A_2, %mul3A_707 : i32
      %dma_start3A_709 = arith.constant 0 : i32
      %dma_start3A_710 = tpu.memref_slice %arg3[%add3A_708, %dma_start3A_709] : memref<16384x50xi32, #tpu.memory_space<hbm>> -> memref<16x50xi32, #tpu.memory_space<hbm>>
      %dma_start3A_711 = arith.constant 0 : i32
      %dma_start3A_712 = tpu.memref_slice %arg3[%add3A_708, %dma_start3A_711] : memref<16384x50xi32, #tpu.memory_space<hbm>> -> memref<16x50xi32, #tpu.memory_space<hbm>>
      tpu.enqueue_dma source(%dma_start3A_712 : memref<16x50xi32, #tpu.memory_space<hbm>>) target(%arg6 : memref<16x50xi32, #tpu.memory_space<vmem>>) target_semaphore(%arg10 : memref<!tpu.dma_semaphore, #tpu.memory_space<semaphore_mem>>)
      %add3A_713 = arith.constant 1 : i32
      %add3A_714 = arith.addi %add3A_478, %add3A_713 : i32
      %dma_wait3A_715 = arith.constant 0 : i32
      %dma_wait3A_716 = arith.constant 0 : i32
      %dma_wait3A_717 = tpu.memref_slice %arg3[%dma_wait3A_715, %dma_wait3A_716] : memref<16384x50xi32, #tpu.memory_space<hbm>> -> memref<16x50xi32, #tpu.memory_space<hbm>>
      %dma_wait3A_718 = arith.constant 0 : i32
      %dma_wait3A_719 = arith.constant 0 : i32
      %dma_wait3A_720 = tpu.memref_slice %arg3[%dma_wait3A_718, %dma_wait3A_719] : memref<16384x50xi32, #tpu.memory_space<hbm>> -> memref<16x50xi32, #tpu.memory_space<hbm>>
      tpu.wait_dma2 semaphore(%arg10 : memref<!tpu.dma_semaphore, #tpu.memory_space<semaphore_mem>>) src(%dma_wait3A_720 : memref<16x50xi32, #tpu.memory_space<hbm>>) dst(%arg6 : memref<16x50xi32, #tpu.memory_space<vmem>>)
      %dma_wait3A_721 = arith.constant 0 : i32
      %dma_wait3A_722 = arith.constant 0 : i32
      %dma_wait3A_723 = arith.constant 0 : i32
      %dma_wait3A_724 = tpu.memref_slice %arg4[%dma_wait3A_721, %dma_wait3A_722, %dma_wait3A_723] : memref<16384x50x32xf32, #tpu.memory_space<hbm>> -> memref<16x50x32xf32, #tpu.memory_space<hbm>>
      %dma_wait3A_725 = arith.constant 0 : i32
      %dma_wait3A_726 = arith.constant 0 : i32
      %dma_wait3A_727 = arith.constant 0 : i32
      %dma_wait3A_728 = tpu.memref_slice %arg4[%dma_wait3A_725, %dma_wait3A_726, %dma_wait3A_727] : memref<16384x50x32xf32, #tpu.memory_space<hbm>> -> memref<16x50x32xf32, #tpu.memory_space<hbm>>
      tpu.wait_dma2 semaphore(%arg14 : memref<!tpu.dma_semaphore, #tpu.memory_space<semaphore_mem>>) src(%arg8 : memref<16x50x32xf32, #tpu.memory_space<vmem>>) dst(%dma_wait3A_728 : memref<16x50x32xf32, #tpu.memory_space<hbm>>)
      %dma_start3A_729 = arith.constant 0 : i32
      %dma_start3A_730 = arith.constant 0 : i32
      %dma_start3A_731 = arith.constant 0 : i32
      %dma_start3A_732 = arith.constant 0 : i32
      %dma_start3A_733 = tpu.memref_slice %arg8[%dma_start3A_730, %dma_start3A_731, %dma_start3A_732] : memref<16x50x32xf32, #tpu.memory_space<vmem>> -> memref<1x50x32xf32, #tpu.memory_space<vmem>>
      %dma_start3A_734 = tpu.memref_squeeze %dma_start3A_733 : memref<1x50x32xf32, #tpu.memory_space<vmem>> -> memref<50x32xf32, #tpu.memory_space<vmem>>
      %dma_start3A_735 = arith.constant 0 : i32
      %dma_start3A_736 = tpu.memref_slice %arg6[%dma_start3A_729, %dma_start3A_735] : memref<16x50xi32, #tpu.memory_space<vmem>> -> memref<1x50xi32, #tpu.memory_space<vmem>>
      %dma_start3A_737 = tpu.memref_squeeze %dma_start3A_736 : memref<1x50xi32, #tpu.memory_space<vmem>> -> memref<50xi32, #tpu.memory_space<vmem>>
      %dma_start3A_738 = arith.constant 0 : i32
      %dma_start3A_739 = arith.constant 0 : i32
      %dma_start3A_740 = tpu.memref_slice %arg2[%dma_start3A_738, %dma_start3A_739] : memref<1000000x32xf32, #tpu.memory_space<hbm>> -> memref<1000000x32xf32, #tpu.memory_space<hbm>>
      tpu.enqueue_indirect_dma source(%dma_start3A_740 : memref<1000000x32xf32, #tpu.memory_space<hbm>>) target(%dma_start3A_734 : memref<50x32xf32, #tpu.memory_space<vmem>>) offsets(%dma_start3A_737 : memref<50xi32, #tpu.memory_space<vmem>>) semaphore(%arg12 : memref<!tpu.dma_semaphore, #tpu.memory_space<semaphore_mem>>)
      %dma_start3A_741 = arith.constant 1 : i32
      %dma_start3A_742 = arith.constant 1 : i32
      %dma_start3A_743 = arith.constant 0 : i32
      %dma_start3A_744 = arith.constant 0 : i32
      %dma_start3A_745 = tpu.memref_slice %arg8[%dma_start3A_742, %dma_start3A_743, %dma_start3A_744] : memref<16x50x32xf32, #tpu.memory_space<vmem>> -> memref<1x50x32xf32, #tpu.memory_space<vmem>>
      %dma_start3A_746 = tpu.memref_squeeze %dma_start3A_745 : memref<1x50x32xf32, #tpu.memory_space<vmem>> -> memref<50x32xf32, #tpu.memory_space<vmem>>
      %dma_start3A_747 = arith.constant 0 : i32
      %dma_start3A_748 = tpu.memref_slice %arg6[%dma_start3A_741, %dma_start3A_747] : memref<16x50xi32, #tpu.memory_space<vmem>> -> memref<1x50xi32, #tpu.memory_space<vmem>>
      %dma_start3A_749 = tpu.memref_squeeze %dma_start3A_748 : memref<1x50xi32, #tpu.memory_space<vmem>> -> memref<50xi32, #tpu.memory_space<vmem>>
      %dma_start3A_750 = arith.constant 0 : i32
      %dma_start3A_751 = arith.constant 0 : i32
      %dma_start3A_752 = tpu.memref_slice %arg2[%dma_start3A_750, %dma_start3A_751] : memref<1000000x32xf32, #tpu.memory_space<hbm>> -> memref<1000000x32xf32, #tpu.memory_space<hbm>>
      tpu.enqueue_indirect_dma source(%dma_start3A_752 : memref<1000000x32xf32, #tpu.memory_space<hbm>>) target(%dma_start3A_746 : memref<50x32xf32, #tpu.memory_space<vmem>>) offsets(%dma_start3A_749 : memref<50xi32, #tpu.memory_space<vmem>>) semaphore(%arg12 : memref<!tpu.dma_semaphore, #tpu.memory_space<semaphore_mem>>)
      %dma_start3A_753 = arith.constant 2 : i32
      %dma_start3A_754 = arith.constant 2 : i32
      %dma_start3A_755 = arith.constant 0 : i32
      %dma_start3A_756 = arith.constant 0 : i32
      %dma_start3A_757 = tpu.memref_slice %arg8[%dma_start3A_754, %dma_start3A_755, %dma_start3A_756] : memref<16x50x32xf32, #tpu.memory_space<vmem>> -> memref<1x50x32xf32, #tpu.memory_space<vmem>>
      %dma_start3A_758 = tpu.memref_squeeze %dma_start3A_757 : memref<1x50x32xf32, #tpu.memory_space<vmem>> -> memref<50x32xf32, #tpu.memory_space<vmem>>
      %dma_start3A_759 = arith.constant 0 : i32
      %dma_start3A_760 = tpu.memref_slice %arg6[%dma_start3A_753, %dma_start3A_759] : memref<16x50xi32, #tpu.memory_space<vmem>> -> memref<1x50xi32, #tpu.memory_space<vmem>>
      %dma_start3A_761 = tpu.memref_squeeze %dma_start3A_760 : memref<1x50xi32, #tpu.memory_space<vmem>> -> memref<50xi32, #tpu.memory_space<vmem>>
      %dma_start3A_762 = arith.constant 0 : i32
      %dma_start3A_763 = arith.constant 0 : i32
      %dma_start3A_764 = tpu.memref_slice %arg2[%dma_start3A_762, %dma_start3A_763] : memref<1000000x32xf32, #tpu.memory_space<hbm>> -> memref<1000000x32xf32, #tpu.memory_space<hbm>>
      tpu.enqueue_indirect_dma source(%dma_start3A_764 : memref<1000000x32xf32, #tpu.memory_space<hbm>>) target(%dma_start3A_758 : memref<50x32xf32, #tpu.memory_space<vmem>>) offsets(%dma_start3A_761 : memref<50xi32, #tpu.memory_space<vmem>>) semaphore(%arg12 : memref<!tpu.dma_semaphore, #tpu.memory_space<semaphore_mem>>)
      %dma_start3A_765 = arith.constant 3 : i32
      %dma_start3A_766 = arith.constant 3 : i32
      %dma_start3A_767 = arith.constant 0 : i32
      %dma_start3A_768 = arith.constant 0 : i32
      %dma_start3A_769 = tpu.memref_slice %arg8[%dma_start3A_766, %dma_start3A_767, %dma_start3A_768] : memref<16x50x32xf32, #tpu.memory_space<vmem>> -> memref<1x50x32xf32, #tpu.memory_space<vmem>>
      %dma_start3A_770 = tpu.memref_squeeze %dma_start3A_769 : memref<1x50x32xf32, #tpu.memory_space<vmem>> -> memref<50x32xf32, #tpu.memory_space<vmem>>
      %dma_start3A_771 = arith.constant 0 : i32
      %dma_start3A_772 = tpu.memref_slice %arg6[%dma_start3A_765, %dma_start3A_771] : memref<16x50xi32, #tpu.memory_space<vmem>> -> memref<1x50xi32, #tpu.memory_space<vmem>>
      %dma_start3A_773 = tpu.memref_squeeze %dma_start3A_772 : memref<1x50xi32, #tpu.memory_space<vmem>> -> memref<50xi32, #tpu.memory_space<vmem>>
      %dma_start3A_774 = arith.constant 0 : i32
      %dma_start3A_775 = arith.constant 0 : i32
      %dma_start3A_776 = tpu.memref_slice %arg2[%dma_start3A_774, %dma_start3A_775] : memref<1000000x32xf32, #tpu.memory_space<hbm>> -> memref<1000000x32xf32, #tpu.memory_space<hbm>>
      tpu.enqueue_indirect_dma source(%dma_start3A_776 : memref<1000000x32xf32, #tpu.memory_space<hbm>>) target(%dma_start3A_770 : memref<50x32xf32, #tpu.memory_space<vmem>>) offsets(%dma_start3A_773 : memref<50xi32, #tpu.memory_space<vmem>>) semaphore(%arg12 : memref<!tpu.dma_semaphore, #tpu.memory_space<semaphore_mem>>)
      %dma_start3A_777 = arith.constant 4 : i32
      %dma_start3A_778 = arith.constant 4 : i32
      %dma_start3A_779 = arith.constant 0 : i32
      %dma_start3A_780 = arith.constant 0 : i32
      %dma_start3A_781 = tpu.memref_slice %arg8[%dma_start3A_778, %dma_start3A_779, %dma_start3A_780] : memref<16x50x32xf32, #tpu.memory_space<vmem>> -> memref<1x50x32xf32, #tpu.memory_space<vmem>>
      %dma_start3A_782 = tpu.memref_squeeze %dma_start3A_781 : memref<1x50x32xf32, #tpu.memory_space<vmem>> -> memref<50x32xf32, #tpu.memory_space<vmem>>
      %dma_start3A_783 = arith.constant 0 : i32
      %dma_start3A_784 = tpu.memref_slice %arg6[%dma_start3A_777, %dma_start3A_783] : memref<16x50xi32, #tpu.memory_space<vmem>> -> memref<1x50xi32, #tpu.memory_space<vmem>>
      %dma_start3A_785 = tpu.memref_squeeze %dma_start3A_784 : memref<1x50xi32, #tpu.memory_space<vmem>> -> memref<50xi32, #tpu.memory_space<vmem>>
      %dma_start3A_786 = arith.constant 0 : i32
      %dma_start3A_787 = arith.constant 0 : i32
      %dma_start3A_788 = tpu.memref_slice %arg2[%dma_start3A_786, %dma_start3A_787] : memref<1000000x32xf32, #tpu.memory_space<hbm>> -> memref<1000000x32xf32, #tpu.memory_space<hbm>>
      tpu.enqueue_indirect_dma source(%dma_start3A_788 : memref<1000000x32xf32, #tpu.memory_space<hbm>>) target(%dma_start3A_782 : memref<50x32xf32, #tpu.memory_space<vmem>>) offsets(%dma_start3A_785 : memref<50xi32, #tpu.memory_space<vmem>>) semaphore(%arg12 : memref<!tpu.dma_semaphore, #tpu.memory_space<semaphore_mem>>)
      %dma_start3A_789 = arith.constant 5 : i32
      %dma_start3A_790 = arith.constant 5 : i32
      %dma_start3A_791 = arith.constant 0 : i32
      %dma_start3A_792 = arith.constant 0 : i32
      %dma_start3A_793 = tpu.memref_slice %arg8[%dma_start3A_790, %dma_start3A_791, %dma_start3A_792] : memref<16x50x32xf32, #tpu.memory_space<vmem>> -> memref<1x50x32xf32, #tpu.memory_space<vmem>>
      %dma_start3A_794 = tpu.memref_squeeze %dma_start3A_793 : memref<1x50x32xf32, #tpu.memory_space<vmem>> -> memref<50x32xf32, #tpu.memory_space<vmem>>
      %dma_start3A_795 = arith.constant 0 : i32
      %dma_start3A_796 = tpu.memref_slice %arg6[%dma_start3A_789, %dma_start3A_795] : memref<16x50xi32, #tpu.memory_space<vmem>> -> memref<1x50xi32, #tpu.memory_space<vmem>>
      %dma_start3A_797 = tpu.memref_squeeze %dma_start3A_796 : memref<1x50xi32, #tpu.memory_space<vmem>> -> memref<50xi32, #tpu.memory_space<vmem>>
      %dma_start3A_798 = arith.constant 0 : i32
      %dma_start3A_799 = arith.constant 0 : i32
      %dma_start3A_800 = tpu.memref_slice %arg2[%dma_start3A_798, %dma_start3A_799] : memref<1000000x32xf32, #tpu.memory_space<hbm>> -> memref<1000000x32xf32, #tpu.memory_space<hbm>>
      tpu.enqueue_indirect_dma source(%dma_start3A_800 : memref<1000000x32xf32, #tpu.memory_space<hbm>>) target(%dma_start3A_794 : memref<50x32xf32, #tpu.memory_space<vmem>>) offsets(%dma_start3A_797 : memref<50xi32, #tpu.memory_space<vmem>>) semaphore(%arg12 : memref<!tpu.dma_semaphore, #tpu.memory_space<semaphore_mem>>)
      %dma_start3A_801 = arith.constant 6 : i32
      %dma_start3A_802 = arith.constant 6 : i32
      %dma_start3A_803 = arith.constant 0 : i32
      %dma_start3A_804 = arith.constant 0 : i32
      %dma_start3A_805 = tpu.memref_slice %arg8[%dma_start3A_802, %dma_start3A_803, %dma_start3A_804] : memref<16x50x32xf32, #tpu.memory_space<vmem>> -> memref<1x50x32xf32, #tpu.memory_space<vmem>>
      %dma_start3A_806 = tpu.memref_squeeze %dma_start3A_805 : memref<1x50x32xf32, #tpu.memory_space<vmem>> -> memref<50x32xf32, #tpu.memory_space<vmem>>
      %dma_start3A_807 = arith.constant 0 : i32
      %dma_start3A_808 = tpu.memref_slice %arg6[%dma_start3A_801, %dma_start3A_807] : memref<16x50xi32, #tpu.memory_space<vmem>> -> memref<1x50xi32, #tpu.memory_space<vmem>>
      %dma_start3A_809 = tpu.memref_squeeze %dma_start3A_808 : memref<1x50xi32, #tpu.memory_space<vmem>> -> memref<50xi32, #tpu.memory_space<vmem>>
      %dma_start3A_810 = arith.constant 0 : i32
      %dma_start3A_811 = arith.constant 0 : i32
      %dma_start3A_812 = tpu.memref_slice %arg2[%dma_start3A_810, %dma_start3A_811] : memref<1000000x32xf32, #tpu.memory_space<hbm>> -> memref<1000000x32xf32, #tpu.memory_space<hbm>>
      tpu.enqueue_indirect_dma source(%dma_start3A_812 : memref<1000000x32xf32, #tpu.memory_space<hbm>>) target(%dma_start3A_806 : memref<50x32xf32, #tpu.memory_space<vmem>>) offsets(%dma_start3A_809 : memref<50xi32, #tpu.memory_space<vmem>>) semaphore(%arg12 : memref<!tpu.dma_semaphore, #tpu.memory_space<semaphore_mem>>)
      %dma_start3A_813 = arith.constant 7 : i32
      %dma_start3A_814 = arith.constant 7 : i32
      %dma_start3A_815 = arith.constant 0 : i32
      %dma_start3A_816 = arith.constant 0 : i32
      %dma_start3A_817 = tpu.memref_slice %arg8[%dma_start3A_814, %dma_start3A_815, %dma_start3A_816] : memref<16x50x32xf32, #tpu.memory_space<vmem>> -> memref<1x50x32xf32, #tpu.memory_space<vmem>>
      %dma_start3A_818 = tpu.memref_squeeze %dma_start3A_817 : memref<1x50x32xf32, #tpu.memory_space<vmem>> -> memref<50x32xf32, #tpu.memory_space<vmem>>
      %dma_start3A_819 = arith.constant 0 : i32
      %dma_start3A_820 = tpu.memref_slice %arg6[%dma_start3A_813, %dma_start3A_819] : memref<16x50xi32, #tpu.memory_space<vmem>> -> memref<1x50xi32, #tpu.memory_space<vmem>>
      %dma_start3A_821 = tpu.memref_squeeze %dma_start3A_820 : memref<1x50xi32, #tpu.memory_space<vmem>> -> memref<50xi32, #tpu.memory_space<vmem>>
      %dma_start3A_822 = arith.constant 0 : i32
      %dma_start3A_823 = arith.constant 0 : i32
      %dma_start3A_824 = tpu.memref_slice %arg2[%dma_start3A_822, %dma_start3A_823] : memref<1000000x32xf32, #tpu.memory_space<hbm>> -> memref<1000000x32xf32, #tpu.memory_space<hbm>>
      tpu.enqueue_indirect_dma source(%dma_start3A_824 : memref<1000000x32xf32, #tpu.memory_space<hbm>>) target(%dma_start3A_818 : memref<50x32xf32, #tpu.memory_space<vmem>>) offsets(%dma_start3A_821 : memref<50xi32, #tpu.memory_space<vmem>>) semaphore(%arg12 : memref<!tpu.dma_semaphore, #tpu.memory_space<semaphore_mem>>)
      %dma_start3A_825 = arith.constant 8 : i32
      %dma_start3A_826 = arith.constant 8 : i32
      %dma_start3A_827 = arith.constant 0 : i32
      %dma_start3A_828 = arith.constant 0 : i32
      %dma_start3A_829 = tpu.memref_slice %arg8[%dma_start3A_826, %dma_start3A_827, %dma_start3A_828] : memref<16x50x32xf32, #tpu.memory_space<vmem>> -> memref<1x50x32xf32, #tpu.memory_space<vmem>>
      %dma_start3A_830 = tpu.memref_squeeze %dma_start3A_829 : memref<1x50x32xf32, #tpu.memory_space<vmem>> -> memref<50x32xf32, #tpu.memory_space<vmem>>
      %dma_start3A_831 = arith.constant 0 : i32
      %dma_start3A_832 = tpu.memref_slice %arg6[%dma_start3A_825, %dma_start3A_831] : memref<16x50xi32, #tpu.memory_space<vmem>> -> memref<1x50xi32, #tpu.memory_space<vmem>>
      %dma_start3A_833 = tpu.memref_squeeze %dma_start3A_832 : memref<1x50xi32, #tpu.memory_space<vmem>> -> memref<50xi32, #tpu.memory_space<vmem>>
      %dma_start3A_834 = arith.constant 0 : i32
      %dma_start3A_835 = arith.constant 0 : i32
      %dma_start3A_836 = tpu.memref_slice %arg2[%dma_start3A_834, %dma_start3A_835] : memref<1000000x32xf32, #tpu.memory_space<hbm>> -> memref<1000000x32xf32, #tpu.memory_space<hbm>>
      tpu.enqueue_indirect_dma source(%dma_start3A_836 : memref<1000000x32xf32, #tpu.memory_space<hbm>>) target(%dma_start3A_830 : memref<50x32xf32, #tpu.memory_space<vmem>>) offsets(%dma_start3A_833 : memref<50xi32, #tpu.memory_space<vmem>>) semaphore(%arg12 : memref<!tpu.dma_semaphore, #tpu.memory_space<semaphore_mem>>)
      %dma_start3A_837 = arith.constant 9 : i32
      %dma_start3A_838 = arith.constant 9 : i32
      %dma_start3A_839 = arith.constant 0 : i32
      %dma_start3A_840 = arith.constant 0 : i32
      %dma_start3A_841 = tpu.memref_slice %arg8[%dma_start3A_838, %dma_start3A_839, %dma_start3A_840] : memref<16x50x32xf32, #tpu.memory_space<vmem>> -> memref<1x50x32xf32, #tpu.memory_space<vmem>>
      %dma_start3A_842 = tpu.memref_squeeze %dma_start3A_841 : memref<1x50x32xf32, #tpu.memory_space<vmem>> -> memref<50x32xf32, #tpu.memory_space<vmem>>
      %dma_start3A_843 = arith.constant 0 : i32
      %dma_start3A_844 = tpu.memref_slice %arg6[%dma_start3A_837, %dma_start3A_843] : memref<16x50xi32, #tpu.memory_space<vmem>> -> memref<1x50xi32, #tpu.memory_space<vmem>>
      %dma_start3A_845 = tpu.memref_squeeze %dma_start3A_844 : memref<1x50xi32, #tpu.memory_space<vmem>> -> memref<50xi32, #tpu.memory_space<vmem>>
      %dma_start3A_846 = arith.constant 0 : i32
      %dma_start3A_847 = arith.constant 0 : i32
      %dma_start3A_848 = tpu.memref_slice %arg2[%dma_start3A_846, %dma_start3A_847] : memref<1000000x32xf32, #tpu.memory_space<hbm>> -> memref<1000000x32xf32, #tpu.memory_space<hbm>>
      tpu.enqueue_indirect_dma source(%dma_start3A_848 : memref<1000000x32xf32, #tpu.memory_space<hbm>>) target(%dma_start3A_842 : memref<50x32xf32, #tpu.memory_space<vmem>>) offsets(%dma_start3A_845 : memref<50xi32, #tpu.memory_space<vmem>>) semaphore(%arg12 : memref<!tpu.dma_semaphore, #tpu.memory_space<semaphore_mem>>)
      %dma_start3A_849 = arith.constant 10 : i32
      %dma_start3A_850 = arith.constant 10 : i32
      %dma_start3A_851 = arith.constant 0 : i32
      %dma_start3A_852 = arith.constant 0 : i32
      %dma_start3A_853 = tpu.memref_slice %arg8[%dma_start3A_850, %dma_start3A_851, %dma_start3A_852] : memref<16x50x32xf32, #tpu.memory_space<vmem>> -> memref<1x50x32xf32, #tpu.memory_space<vmem>>
      %dma_start3A_854 = tpu.memref_squeeze %dma_start3A_853 : memref<1x50x32xf32, #tpu.memory_space<vmem>> -> memref<50x32xf32, #tpu.memory_space<vmem>>
      %dma_start3A_855 = arith.constant 0 : i32
      %dma_start3A_856 = tpu.memref_slice %arg6[%dma_start3A_849, %dma_start3A_855] : memref<16x50xi32, #tpu.memory_space<vmem>> -> memref<1x50xi32, #tpu.memory_space<vmem>>
      %dma_start3A_857 = tpu.memref_squeeze %dma_start3A_856 : memref<1x50xi32, #tpu.memory_space<vmem>> -> memref<50xi32, #tpu.memory_space<vmem>>
      %dma_start3A_858 = arith.constant 0 : i32
      %dma_start3A_859 = arith.constant 0 : i32
      %dma_start3A_860 = tpu.memref_slice %arg2[%dma_start3A_858, %dma_start3A_859] : memref<1000000x32xf32, #tpu.memory_space<hbm>> -> memref<1000000x32xf32, #tpu.memory_space<hbm>>
      tpu.enqueue_indirect_dma source(%dma_start3A_860 : memref<1000000x32xf32, #tpu.memory_space<hbm>>) target(%dma_start3A_854 : memref<50x32xf32, #tpu.memory_space<vmem>>) offsets(%dma_start3A_857 : memref<50xi32, #tpu.memory_space<vmem>>) semaphore(%arg12 : memref<!tpu.dma_semaphore, #tpu.memory_space<semaphore_mem>>)
      %dma_start3A_861 = arith.constant 11 : i32
      %dma_start3A_862 = arith.constant 11 : i32
      %dma_start3A_863 = arith.constant 0 : i32
      %dma_start3A_864 = arith.constant 0 : i32
      %dma_start3A_865 = tpu.memref_slice %arg8[%dma_start3A_862, %dma_start3A_863, %dma_start3A_864] : memref<16x50x32xf32, #tpu.memory_space<vmem>> -> memref<1x50x32xf32, #tpu.memory_space<vmem>>
      %dma_start3A_866 = tpu.memref_squeeze %dma_start3A_865 : memref<1x50x32xf32, #tpu.memory_space<vmem>> -> memref<50x32xf32, #tpu.memory_space<vmem>>
      %dma_start3A_867 = arith.constant 0 : i32
      %dma_start3A_868 = tpu.memref_slice %arg6[%dma_start3A_861, %dma_start3A_867] : memref<16x50xi32, #tpu.memory_space<vmem>> -> memref<1x50xi32, #tpu.memory_space<vmem>>
      %dma_start3A_869 = tpu.memref_squeeze %dma_start3A_868 : memref<1x50xi32, #tpu.memory_space<vmem>> -> memref<50xi32, #tpu.memory_space<vmem>>
      %dma_start3A_870 = arith.constant 0 : i32
      %dma_start3A_871 = arith.constant 0 : i32
      %dma_start3A_872 = tpu.memref_slice %arg2[%dma_start3A_870, %dma_start3A_871] : memref<1000000x32xf32, #tpu.memory_space<hbm>> -> memref<1000000x32xf32, #tpu.memory_space<hbm>>
      tpu.enqueue_indirect_dma source(%dma_start3A_872 : memref<1000000x32xf32, #tpu.memory_space<hbm>>) target(%dma_start3A_866 : memref<50x32xf32, #tpu.memory_space<vmem>>) offsets(%dma_start3A_869 : memref<50xi32, #tpu.memory_space<vmem>>) semaphore(%arg12 : memref<!tpu.dma_semaphore, #tpu.memory_space<semaphore_mem>>)
      %dma_start3A_873 = arith.constant 12 : i32
      %dma_start3A_874 = arith.constant 12 : i32
      %dma_start3A_875 = arith.constant 0 : i32
      %dma_start3A_876 = arith.constant 0 : i32
      %dma_start3A_877 = tpu.memref_slice %arg8[%dma_start3A_874, %dma_start3A_875, %dma_start3A_876] : memref<16x50x32xf32, #tpu.memory_space<vmem>> -> memref<1x50x32xf32, #tpu.memory_space<vmem>>
      %dma_start3A_878 = tpu.memref_squeeze %dma_start3A_877 : memref<1x50x32xf32, #tpu.memory_space<vmem>> -> memref<50x32xf32, #tpu.memory_space<vmem>>
      %dma_start3A_879 = arith.constant 0 : i32
      %dma_start3A_880 = tpu.memref_slice %arg6[%dma_start3A_873, %dma_start3A_879] : memref<16x50xi32, #tpu.memory_space<vmem>> -> memref<1x50xi32, #tpu.memory_space<vmem>>
      %dma_start3A_881 = tpu.memref_squeeze %dma_start3A_880 : memref<1x50xi32, #tpu.memory_space<vmem>> -> memref<50xi32, #tpu.memory_space<vmem>>
      %dma_start3A_882 = arith.constant 0 : i32
      %dma_start3A_883 = arith.constant 0 : i32
      %dma_start3A_884 = tpu.memref_slice %arg2[%dma_start3A_882, %dma_start3A_883] : memref<1000000x32xf32, #tpu.memory_space<hbm>> -> memref<1000000x32xf32, #tpu.memory_space<hbm>>
      tpu.enqueue_indirect_dma source(%dma_start3A_884 : memref<1000000x32xf32, #tpu.memory_space<hbm>>) target(%dma_start3A_878 : memref<50x32xf32, #tpu.memory_space<vmem>>) offsets(%dma_start3A_881 : memref<50xi32, #tpu.memory_space<vmem>>) semaphore(%arg12 : memref<!tpu.dma_semaphore, #tpu.memory_space<semaphore_mem>>)
      %dma_start3A_885 = arith.constant 13 : i32
      %dma_start3A_886 = arith.constant 13 : i32
      %dma_start3A_887 = arith.constant 0 : i32
      %dma_start3A_888 = arith.constant 0 : i32
      %dma_start3A_889 = tpu.memref_slice %arg8[%dma_start3A_886, %dma_start3A_887, %dma_start3A_888] : memref<16x50x32xf32, #tpu.memory_space<vmem>> -> memref<1x50x32xf32, #tpu.memory_space<vmem>>
      %dma_start3A_890 = tpu.memref_squeeze %dma_start3A_889 : memref<1x50x32xf32, #tpu.memory_space<vmem>> -> memref<50x32xf32, #tpu.memory_space<vmem>>
      %dma_start3A_891 = arith.constant 0 : i32
      %dma_start3A_892 = tpu.memref_slice %arg6[%dma_start3A_885, %dma_start3A_891] : memref<16x50xi32, #tpu.memory_space<vmem>> -> memref<1x50xi32, #tpu.memory_space<vmem>>
      %dma_start3A_893 = tpu.memref_squeeze %dma_start3A_892 : memref<1x50xi32, #tpu.memory_space<vmem>> -> memref<50xi32, #tpu.memory_space<vmem>>
      %dma_start3A_894 = arith.constant 0 : i32
      %dma_start3A_895 = arith.constant 0 : i32
      %dma_start3A_896 = tpu.memref_slice %arg2[%dma_start3A_894, %dma_start3A_895] : memref<1000000x32xf32, #tpu.memory_space<hbm>> -> memref<1000000x32xf32, #tpu.memory_space<hbm>>
      tpu.enqueue_indirect_dma source(%dma_start3A_896 : memref<1000000x32xf32, #tpu.memory_space<hbm>>) target(%dma_start3A_890 : memref<50x32xf32, #tpu.memory_space<vmem>>) offsets(%dma_start3A_893 : memref<50xi32, #tpu.memory_space<vmem>>) semaphore(%arg12 : memref<!tpu.dma_semaphore, #tpu.memory_space<semaphore_mem>>)
      %dma_start3A_897 = arith.constant 14 : i32
      %dma_start3A_898 = arith.constant 14 : i32
      %dma_start3A_899 = arith.constant 0 : i32
      %dma_start3A_900 = arith.constant 0 : i32
      %dma_start3A_901 = tpu.memref_slice %arg8[%dma_start3A_898, %dma_start3A_899, %dma_start3A_900] : memref<16x50x32xf32, #tpu.memory_space<vmem>> -> memref<1x50x32xf32, #tpu.memory_space<vmem>>
      %dma_start3A_902 = tpu.memref_squeeze %dma_start3A_901 : memref<1x50x32xf32, #tpu.memory_space<vmem>> -> memref<50x32xf32, #tpu.memory_space<vmem>>
      %dma_start3A_903 = arith.constant 0 : i32
      %dma_start3A_904 = tpu.memref_slice %arg6[%dma_start3A_897, %dma_start3A_903] : memref<16x50xi32, #tpu.memory_space<vmem>> -> memref<1x50xi32, #tpu.memory_space<vmem>>
      %dma_start3A_905 = tpu.memref_squeeze %dma_start3A_904 : memref<1x50xi32, #tpu.memory_space<vmem>> -> memref<50xi32, #tpu.memory_space<vmem>>
      %dma_start3A_906 = arith.constant 0 : i32
      %dma_start3A_907 = arith.constant 0 : i32
      %dma_start3A_908 = tpu.memref_slice %arg2[%dma_start3A_906, %dma_start3A_907] : memref<1000000x32xf32, #tpu.memory_space<hbm>> -> memref<1000000x32xf32, #tpu.memory_space<hbm>>
      tpu.enqueue_indirect_dma source(%dma_start3A_908 : memref<1000000x32xf32, #tpu.memory_space<hbm>>) target(%dma_start3A_902 : memref<50x32xf32, #tpu.memory_space<vmem>>) offsets(%dma_start3A_905 : memref<50xi32, #tpu.memory_space<vmem>>) semaphore(%arg12 : memref<!tpu.dma_semaphore, #tpu.memory_space<semaphore_mem>>)
      %dma_start3A_909 = arith.constant 15 : i32
      %dma_start3A_910 = arith.constant 15 : i32
      %dma_start3A_911 = arith.constant 0 : i32
      %dma_start3A_912 = arith.constant 0 : i32
      %dma_start3A_913 = tpu.memref_slice %arg8[%dma_start3A_910, %dma_start3A_911, %dma_start3A_912] : memref<16x50x32xf32, #tpu.memory_space<vmem>> -> memref<1x50x32xf32, #tpu.memory_space<vmem>>
      %dma_start3A_914 = tpu.memref_squeeze %dma_start3A_913 : memref<1x50x32xf32, #tpu.memory_space<vmem>> -> memref<50x32xf32, #tpu.memory_space<vmem>>
      %dma_start3A_915 = arith.constant 0 : i32
      %dma_start3A_916 = tpu.memref_slice %arg6[%dma_start3A_909, %dma_start3A_915] : memref<16x50xi32, #tpu.memory_space<vmem>> -> memref<1x50xi32, #tpu.memory_space<vmem>>
      %dma_start3A_917 = tpu.memref_squeeze %dma_start3A_916 : memref<1x50xi32, #tpu.memory_space<vmem>> -> memref<50xi32, #tpu.memory_space<vmem>>
      %dma_start3A_918 = arith.constant 0 : i32
      %dma_start3A_919 = arith.constant 0 : i32
      %dma_start3A_920 = tpu.memref_slice %arg2[%dma_start3A_918, %dma_start3A_919] : memref<1000000x32xf32, #tpu.memory_space<hbm>> -> memref<1000000x32xf32, #tpu.memory_space<hbm>>
      tpu.enqueue_indirect_dma source(%dma_start3A_920 : memref<1000000x32xf32, #tpu.memory_space<hbm>>) target(%dma_start3A_914 : memref<50x32xf32, #tpu.memory_space<vmem>>) offsets(%dma_start3A_917 : memref<50xi32, #tpu.memory_space<vmem>>) semaphore(%arg12 : memref<!tpu.dma_semaphore, #tpu.memory_space<semaphore_mem>>)
      %dma_wait3A_921 = arith.constant 0 : i32
      %dma_wait3A_922 = arith.constant 0 : i32
      %dma_wait3A_923 = arith.constant 0 : i32
      %dma_wait3A_924 = tpu.memref_slice %arg4[%dma_wait3A_921, %dma_wait3A_922, %dma_wait3A_923] : memref<16384x50x32xf32, #tpu.memory_space<hbm>> -> memref<16x50x32xf32, #tpu.memory_space<hbm>>
      %dma_wait3A_925 = arith.constant 0 : i32
      %dma_wait3A_926 = arith.constant 0 : i32
      %dma_wait3A_927 = arith.constant 0 : i32
      %dma_wait3A_928 = tpu.memref_slice %arg4[%dma_wait3A_925, %dma_wait3A_926, %dma_wait3A_927] : memref<16384x50x32xf32, #tpu.memory_space<hbm>> -> memref<16x50x32xf32, #tpu.memory_space<hbm>>
      tpu.wait_dma2 semaphore(%arg11 : memref<!tpu.dma_semaphore, #tpu.memory_space<semaphore_mem>>) src(%dma_wait3A_928 : memref<16x50x32xf32, #tpu.memory_space<hbm>>) dst(%arg7 : memref<16x50x32xf32, #tpu.memory_space<vmem>>)
      %sub3A_929 = arith.constant 1 : i32
      %sub3A_930 = arith.subi %add3A_714, %sub3A_929 : i32
      %mul3A_931 = arith.constant 16 : i32
      %mul3A_932 = arith.muli %sub3A_930, %mul3A_931 : i32
      %add3A_933 = arith.addi %mul3A_2, %mul3A_932 : i32
      %dma_start3A_934 = arith.constant 0 : i32
      %dma_start3A_935 = arith.constant 0 : i32
      %dma_start3A_936 = tpu.memref_slice %arg4[%add3A_933, %dma_start3A_934, %dma_start3A_935] : memref<16384x50x32xf32, #tpu.memory_space<hbm>> -> memref<16x50x32xf32, #tpu.memory_space<hbm>>
      %dma_start3A_937 = arith.constant 0 : i32
      %dma_start3A_938 = arith.constant 0 : i32
      %dma_start3A_939 = tpu.memref_slice %arg4[%add3A_933, %dma_start3A_937, %dma_start3A_938] : memref<16384x50x32xf32, #tpu.memory_space<hbm>> -> memref<16x50x32xf32, #tpu.memory_space<hbm>>
      tpu.enqueue_dma source(%arg7 : memref<16x50x32xf32, #tpu.memory_space<vmem>>) target(%dma_start3A_939 : memref<16x50x32xf32, #tpu.memory_space<hbm>>) target_semaphore(%arg13 : memref<!tpu.dma_semaphore, #tpu.memory_space<semaphore_mem>>)
      %add3A_940 = arith.constant 1 : i32
      %add3A_941 = arith.addi %add3A_714, %add3A_940 : i32
      %min3A_942 = arith.constant 31 : i32
      %min3A_943 = arith.minsi %add3A_941, %min3A_942 : i32
      %mul3A_944 = arith.constant 16 : i32
      %mul3A_945 = arith.muli %min3A_943, %mul3A_944 : i32
      %add3A_946 = arith.addi %mul3A_2, %mul3A_945 : i32
      %dma_start3A_947 = arith.constant 0 : i32
      %dma_start3A_948 = tpu.memref_slice %arg3[%add3A_946, %dma_start3A_947] : memref<16384x50xi32, #tpu.memory_space<hbm>> -> memref<16x50xi32, #tpu.memory_space<hbm>>
      %dma_start3A_949 = arith.constant 0 : i32
      %dma_start3A_950 = tpu.memref_slice %arg3[%add3A_946, %dma_start3A_949] : memref<16384x50xi32, #tpu.memory_space<hbm>> -> memref<16x50xi32, #tpu.memory_space<hbm>>
      tpu.enqueue_dma source(%dma_start3A_950 : memref<16x50xi32, #tpu.memory_space<hbm>>) target(%arg5 : memref<16x50xi32, #tpu.memory_space<vmem>>) target_semaphore(%arg9 : memref<!tpu.dma_semaphore, #tpu.memory_space<semaphore_mem>>)
    }
    %scan3A_435 = arith.constant 15 : i32
    %dma_wait3A_436 = arith.constant 0 : i32
    %dma_wait3A_437 = arith.constant 0 : i32
    %dma_wait3A_438 = arith.constant 0 : i32
    %dma_wait3A_439 = tpu.memref_slice %arg4[%dma_wait3A_436, %dma_wait3A_437, %dma_wait3A_438] : memref<16384x50x32xf32, #tpu.memory_space<hbm>> -> memref<16x50x32xf32, #tpu.memory_space<hbm>>
    %dma_wait3A_440 = arith.constant 0 : i32
    %dma_wait3A_441 = arith.constant 0 : i32
    %dma_wait3A_442 = arith.constant 0 : i32
    %dma_wait3A_443 = tpu.memref_slice %arg4[%dma_wait3A_440, %dma_wait3A_441, %dma_wait3A_442] : memref<16384x50x32xf32, #tpu.memory_space<hbm>> -> memref<16x50x32xf32, #tpu.memory_space<hbm>>
    tpu.wait_dma2 semaphore(%arg12 : memref<!tpu.dma_semaphore, #tpu.memory_space<semaphore_mem>>) src(%dma_wait3A_443 : memref<16x50x32xf32, #tpu.memory_space<hbm>>) dst(%arg8 : memref<16x50x32xf32, #tpu.memory_space<vmem>>)
    %add3A_444 = arith.constant 496 : i32
    %add3A_445 = arith.addi %mul3A_2, %add3A_444 : i32
    %dma_start3A_446 = arith.constant 0 : i32
    %dma_start3A_447 = arith.constant 0 : i32
    %dma_start3A_448 = tpu.memref_slice %arg4[%add3A_445, %dma_start3A_446, %dma_start3A_447] : memref<16384x50x32xf32, #tpu.memory_space<hbm>> -> memref<16x50x32xf32, #tpu.memory_space<hbm>>
    %dma_start3A_449 = arith.constant 0 : i32
    %dma_start3A_450 = arith.constant 0 : i32
    %dma_start3A_451 = tpu.memref_slice %arg4[%add3A_445, %dma_start3A_449, %dma_start3A_450] : memref<16384x50x32xf32, #tpu.memory_space<hbm>> -> memref<16x50x32xf32, #tpu.memory_space<hbm>>
    tpu.enqueue_dma source(%arg8 : memref<16x50x32xf32, #tpu.memory_space<vmem>>) target(%dma_start3A_451 : memref<16x50x32xf32, #tpu.memory_space<hbm>>) target_semaphore(%arg14 : memref<!tpu.dma_semaphore, #tpu.memory_space<semaphore_mem>>)
    %dma_wait3A_452 = arith.constant 0 : i32
    %dma_wait3A_453 = arith.constant 0 : i32
    %dma_wait3A_454 = tpu.memref_slice %arg3[%dma_wait3A_452, %dma_wait3A_453] : memref<16384x50xi32, #tpu.memory_space<hbm>> -> memref<16x50xi32, #tpu.memory_space<hbm>>
    %dma_wait3A_455 = arith.constant 0 : i32
    %dma_wait3A_456 = arith.constant 0 : i32
    %dma_wait3A_457 = tpu.memref_slice %arg3[%dma_wait3A_455, %dma_wait3A_456] : memref<16384x50xi32, #tpu.memory_space<hbm>> -> memref<16x50xi32, #tpu.memory_space<hbm>>
    tpu.wait_dma2 semaphore(%arg9 : memref<!tpu.dma_semaphore, #tpu.memory_space<semaphore_mem>>) src(%dma_wait3A_457 : memref<16x50xi32, #tpu.memory_space<hbm>>) dst(%arg5 : memref<16x50xi32, #tpu.memory_space<vmem>>)
    %dma_wait3A_458 = arith.constant 0 : i32
    %dma_wait3A_459 = arith.constant 0 : i32
    %dma_wait3A_460 = arith.constant 0 : i32
    %dma_wait3A_461 = tpu.memref_slice %arg4[%dma_wait3A_458, %dma_wait3A_459, %dma_wait3A_460] : memref<16384x50x32xf32, #tpu.memory_space<hbm>> -> memref<16x50x32xf32, #tpu.memory_space<hbm>>
    %dma_wait3A_462 = arith.constant 0 : i32
    %dma_wait3A_463 = arith.constant 0 : i32
    %dma_wait3A_464 = arith.constant 0 : i32
    %dma_wait3A_465 = tpu.memref_slice %arg4[%dma_wait3A_462, %dma_wait3A_463, %dma_wait3A_464] : memref<16384x50x32xf32, #tpu.memory_space<hbm>> -> memref<16x50x32xf32, #tpu.memory_space<hbm>>
    tpu.wait_dma2 semaphore(%arg13 : memref<!tpu.dma_semaphore, #tpu.memory_space<semaphore_mem>>) src(%arg7 : memref<16x50x32xf32, #tpu.memory_space<vmem>>) dst(%dma_wait3A_465 : memref<16x50x32xf32, #tpu.memory_space<hbm>>)
    %dma_wait3A_466 = arith.constant 0 : i32
    %dma_wait3A_467 = arith.constant 0 : i32
    %dma_wait3A_468 = arith.constant 0 : i32
    %dma_wait3A_469 = tpu.memref_slice %arg4[%dma_wait3A_466, %dma_wait3A_467, %dma_wait3A_468] : memref<16384x50x32xf32, #tpu.memory_space<hbm>> -> memref<16x50x32xf32, #tpu.memory_space<hbm>>
    %dma_wait3A_470 = arith.constant 0 : i32
    %dma_wait3A_471 = arith.constant 0 : i32
    %dma_wait3A_472 = arith.constant 0 : i32
    %dma_wait3A_473 = tpu.memref_slice %arg4[%dma_wait3A_470, %dma_wait3A_471, %dma_wait3A_472] : memref<16384x50x32xf32, #tpu.memory_space<hbm>> -> memref<16x50x32xf32, #tpu.memory_space<hbm>>
    tpu.wait_dma2 semaphore(%arg14 : memref<!tpu.dma_semaphore, #tpu.memory_space<semaphore_mem>>) src(%arg8 : memref<16x50x32xf32, #tpu.memory_space<vmem>>) dst(%dma_wait3A_473 : memref<16x50x32xf32, #tpu.memory_space<hbm>>)
    return
  }
}

</mosaic_0001>

<sc_bundles>
// kernel: kernel.3.cloned.1.call-start
scs
__scs_entry_jumppad:
0x0: {  	(pc) =	sbr.rel $0x88, $3  }
0x1: {  	(tag) =	ssettag $0x0;
	lr =	simm.s32 $0x1  }
0x2: {  	[smem:$0x3F9F] =	sst lr;
	_ =	strace $0xD0000000  }
0x3: {  	_ = 	snop  }
0x4: {  	_ = 	snop  }
0x5: {  	_ = 	snop  }
0x6: {  	_ = 	snop  }
0x7: {  	_ = 	snop  }
__scs_overlays_trampoline_lowered:
0x8: {  	[smem:$0x3FAE] =	sst s0  }
0x9: {  	[smem:$0x3FAF] =	sst s1  }
0xa: {  	[smem:$0x3FB0] =	sst s2  }
0xb: {  	[smem:$0x3FB1] =	sst s3  }
0xc: {  	[smem:$0x3FB2] =	sst s4  }
0xd: {  	[smem:$0x3FB3] =	sst s5  }
0xe: {  	[smem:$0x3FB4] =	sst s6  }
0xf: {  	[smem:$0x3FB5] =	sst s7  }
0x10: {  	[smem:$0x3FB6] =	sst s8  }
0x11: {  	[smem:$0x3FB7] =	sst s9;
	s0 =	simm.s32 @!p0 $0x0  }
0x12: {  	s1 =	sld [smem:$0x3F9D];
	s0 =	simm.s32 @p0 $0x1  }
0x13: {  	[smem:$0x3FB8] =	sst s0;
	s0 =	simm.s32 @!p1 $0x0  }
0x14: {  	s2 =	sld [smem:$0x3F9C];
	s0 =	simm.s32 @p1 $0x1  }
0x15: {  	[smem:$0x3FB9] =	sst s0;
	s0 =	simm.s32 @!p2 $0x0  }
0x16: {  	s3 =	sld [smem:$0x3FDB];
	s0 =	simm.s32 @p2 $0x1  }
0x17: {  	s4 =	simm.s32 $0x1BF5;
	[smem:$0x3FBB] =	sst s0  }
0x18: {  	s0 =	sld [smem:$0x3F9E];
	_ =	swait.ge [sflag:s4], $0x0  }
0x19: {  	s7 =	sld [smem:$0x3F9F]  }
0x1a: {  	s8 =	sadd.s32 $0xFFFFE003, lr  }
0x1b: {  	s9 =	sadd.s32 $0xFFFFFEF7, lr;
	s5 =	simm.s32 $0xFFFFFFFF;
	p2 =	slt.u32 s8, $0xFFFFF086  }
0x1c: {  	p1 =	slt.u32 s9, $0xF7A;
	s5 =	simm.s32 @!p2 $0x0  }
0x1d: {  	s5 =	simm.s32 @p1 $0x1;
	p0 =	seq.s32 s7, s2  }
0x1e: {  	s7 =	smul.u32 @!p0 $0xF7A, s2;
	p2 =	seq.s32 @!p0 s5, $0x0  }
0x1f: {  	s9 =	smul.u32 $0xF7A, s1;
	s8 =	simm.s32 @!p0 $0x1BF5;
	p2 =	por !p2, p0  }
0x20: {  	[sflag:s8] =	ssyncset.s32 @!p0 $0xFFFFF086;
	s6 =	sadd.s32 @!p0 s3, s7;
	s7 =	simm.s32 @!p0 $0x108  }
0x21: {  	s3 =	sadd.s32 s3, s9;
	s6 =	sadd.s32 @!p0 $0x88, s6;
	s7 =	simm.s32 @p2 $0x1082  }
0x22: {  	[simem:s7], [sflag:s8] =	dma.local @!p0 [hbm:s6], $0xF7A  }
0x23: {  	s9 =	sor.u32 $0xD0000000, s2;
	s6 =	simm.s32 $0x108;
	_ =	swait.ge @!p0 [sflag:s8], $0x0  }
0x24: {  	s3 =	sadd.s32 $0x88, s3;
	s6 =	simm.s32 @!p1 $0x1082;
	[sflag:s4] =	ssyncset.s32 $0xFFFFF086  }
0x25: {  	[simem:s6], [sflag:s4] =	dma.local [hbm:s3], $0xF7A  }
0x26: {  	[smem:$0x3F9F] =	sst s1;
	(tag) =	ssettag s2;
	_ =	strace s9  }
0x27: {  	s1 =	sld [smem:$0x3FAF]  }
0x28: {  	s2 =	sld [smem:$0x3FB0]  }
0x29: {  	s4 =	sld [smem:$0x3FB2]  }
0x2a: {  	p0 =	seq.s32 s5, $0x0;
	s5 =	sld [smem:$0x3FB3]  }
0x2b: {  	s6 =	sld [smem:$0x3FB4]  }
0x2c: {  	s7 =	sld [smem:$0x3FB5]  }
0x2d: {  	s3 =	simm.s32 $0x108;
	s8 =	sld [smem:$0x3FB6]  }
0x2e: {  	s3 =	simm.s32 @!p0 $0x1082;
	s9 =	sld [smem:$0x3FB7]  }
0x2f: {  	lr =	sadd.s32 s0, s3;
	s0 =	sld [smem:$0x3FAE]  }
0x30: {  	s3 =	sld [smem:$0x3FB1]  }
0x31: {  	[smem:$0x3FBA] =	sst s10  }
0x32: {  	s10 =	sld [smem:$0x3FB8];
	_ =	sdelay $0x3  }
0x33: {  	p0 =	seq.s32 s10, $0x1;
	s10 =	sld [smem:$0x3FBA];
	_ =	sdelay $0x3  }
0x34: {  	[smem:$0x3FBA] =	sst s10  }
0x35: {  	s10 =	sld [smem:$0x3FB9];
	_ =	sdelay $0x3  }
0x36: {  	p1 =	seq.s32 s10, $0x1;
	s10 =	sld [smem:$0x3FBA];
	_ =	sdelay $0x3  }
0x37: {  	[smem:$0x3FBA] =	sst s10  }
0x38: {  	s10 =	sld [smem:$0x3FBB]  }
0x39: {  	_ = 	snop;
	(pc) =	sbr.ind lr, $3  }
0x3a: {  	_ = 	snop  }
0x3b: {  	_ = 	snop  }
0x3c: {  	p2 =	seq.s32 s10, $0x1;
	s10 =	sld [smem:$0x3FBA]  }
0x3d: {  	_ =	shalt  }
0x3e: {  	_ =	shalt  }
0x3f: {  	_ =	shalt  }
0x40: {  	_ =	shalt  }
0x41: {  	_ =	shalt  }
0x42: {  	_ =	shalt  }
0x43: {  	_ =	shalt  }
0x44: {  	_ =	shalt  }
0x45: {  	_ =	shalt  }
0x46: {  	_ =	shalt  }
0x47: {  	_ =	shalt  }
0x48: {  	_ =	shalt  }
0x49: {  	_ =	shalt  }
0x4a: {  	_ =	shalt  }
0x4b: {  	_ =	shalt  }
0x4c: {  	_ =	shalt  }
0x4d: {  	_ =	shalt  }
0x4e: {  	_ =	shalt  }
0x4f: {  	_ =	shalt  }
0x50: {  	_ =	shalt  }
0x51: {  	_ =	shalt  }
0x52: {  	_ =	shalt  }
0x53: {  	_ =	shalt  }
0x54: {  	_ =	shalt  }
0x55: {  	_ =	shalt  }
0x56: {  	_ =	shalt  }
0x57: {  	_ =	shalt  }
0x58: {  	_ =	shalt  }
0x59: {  	_ =	shalt  }
0x5a: {  	_ =	shalt  }
0x5b: {  	_ =	shalt  }
0x5c: {  	_ =	shalt  }
0x5d: {  	_ =	shalt  }
0x5e: {  	_ =	shalt  }
0x5f: {  	_ =	shalt  }
0x60: {  	_ =	shalt  }
0x61: {  	_ =	shalt  }
0x62: {  	_ =	shalt  }
0x63: {  	_ =	shalt  }
0x64: {  	_ =	shalt  }
0x65: {  	_ =	shalt  }
0x66: {  	_ =	shalt  }
0x67: {  	_ =	shalt  }
0x68: {  	_ =	shalt  }
0x69: {  	_ =	shalt  }
0x6a: {  	_ =	shalt  }
0x6b: {  	_ =	shalt  }
0x6c: {  	_ =	shalt  }
0x6d: {  	_ =	shalt  }
0x6e: {  	_ =	shalt  }
0x6f: {  	_ =	shalt  }
0x70: {  	_ =	shalt  }
0x71: {  	_ =	shalt  }
0x72: {  	_ =	shalt  }
0x73: {  	_ =	shalt  }
0x74: {  	_ =	shalt  }
0x75: {  	_ =	shalt  }
0x76: {  	_ =	shalt  }
0x77: {  	_ =	shalt  }
0x78: {  	_ =	shalt  }
0x79: {  	_ =	shalt  }
0x7a: {  	_ =	shalt  }
0x7b: {  	_ =	shalt  }
0x7c: {  	_ =	shalt  }
0x7d: {  	_ =	shalt  }
0x7e: {  	_ =	shalt  }
0x7f: {  	_ =	shalt  }
0x80: {  	_ =	shalt  }
0x81: {  	_ =	shalt  }
0x82: {  	_ =	shalt  }
0x83: {  	_ =	shalt  }
0x84: {  	_ =	shalt  }
0x85: {  	_ =	shalt  }
0x86: {  	_ =	shalt  }
0x87: {  	_ =	shalt  }
.Lfunc_end0:
.L_simem_size_0:
called_computation.1_lowered:
.L_overlay_start_0:
0x88: {  	s2 =	sld [smem:$0x3FD9]  }
0x89: {  	s3 =	sld [smem:$0x3FFE];
	_ =	sdelay $0x1  }
0x8a: {  	s1 =	srdreg.scid  }
0x8b: {  	s0 =	sand.u32 $0x1, s1  }
0x8c: {  	s17 =	sshll.u32 s0, $0xA;
	s2 =	sadd.s32 s3, s2  }
0x8d: {  	s2 =	sadd.s32 s2, s17  }
0x8e: {  	[smem:$0x3FC6] =	sst s2  }
0x8f: {  	_ = 	snop  }
0x90: {  	s2 =	sld [smem:$0x3FD0];
	(tm) =	ssettm $0x1  }
0x91: {  	s18 =	sld [smem:$0x3FFB];
	_ =	sdelay $0x3  }
0x92: {  	_ =	strace s18  }
0x93: {  	s3 =	sld [smem:$0x3FFC];
	_ =	sdelay $0x3  }
0x94: {  	_ =	strace s3  }
0x95: {  	s3 =	sld [smem:$0x3FFD];
	_ =	sdelay $0x3  }
0x96: {  	_ =	strace s3  }
0x97: {  	_ =	strace $0x8FFFFFFF  }
0x98: {  	s19 =	sld [smem:$0x3FDB];
	_ =	sdelay $0x1  }
0x99: {  	s4 =	simm.s32 $_scs_section_size  }
0x9a: {  	s5 =	simm.s32 $_size__tile_overlayer_lowered;
	s6 =	simm.s32 $_tile_overlayer_lowered  }
0x9b: {  	s22 =	simm.s32 $0x1BFF;
	s21 =	sshll.u32 s6, $0x1;
	s3 =	sadd.s32 s4, s19  }
0x9c: {  	s7 =	simm.s32 $0x0;
	s20 =	sshll.u32 s5, $0x1;
	s5 =	sadd.s32 s21, s3  }
0x9d: {  	[timem:s7], [sflag:s22] =	dma.local [hbm:s5], s20  }
0x9e: {  	_ =	swait.ge [sflag:s22], s20  }
0x9f: {  	s4 =	ssub.s32 $0x0, s20;
	[sflag:s22] =	ssyncset.done $0x0  }
0xa0: {  	[sflag:s22] =	ssyncadd.s32 s4;
	_ =	sdelay $0x1  }
0xa1: {  	s23 =	simm.s32 $0x1B8B  }
0xa2: {  	_ =	swait.ge [sflag:s23], $0x1  }
0xa3: {  	[sflag:s23] =	ssyncset.done $0x0  }
0xa4: {  	s25 =	simm.s32 $0x1B8E;
	s24 =	sld [smem:$0x3FFE];
	[sflag:s23] =	ssyncadd.s32 $0xFFFFFFFF  }
0xa5: {  	s26 =	simm.s32 $execute0_lowered;
	[smem:$0x3FD2] =	sst s25  }
0xa6: {  	s5 =	sshll.u32 s26, $0x1;
	_ =	strace $0x80000046;
	[dreg:$0x1] =	wrdreg $0xFFFFFFFF  }
0xa7: {  	s28 =	simm.s32 $_size_execute0_lowered;
	s3 =	sadd.s32 s3, s5;
	[dreg:$0x0] =	wrdreg $0x0  }
0xa8: {  	s5 =	sshll.u32 s28, $0x1;
	[dreg:$0x2] =	wrdreg s3  }
0xa9: {  	[dreg:$0x3] =	wrdreg s5  }
0xaa: {  	[dreg:$0x4] =	wrdreg $0xC0  }
0xab: {  	_ =	task [dreg:s7], $0x5FFFF  }
0xac: {  	[dreg:$0x1] =	wrdreg $0xFFFFFFFF  }
0xad: {  	[dreg:$0x0] =	wrdreg $0x60  }
0xae: {  	[dreg:$0x2] =	wrdreg s24  }
0xaf: {  	[dreg:$0x3] =	wrdreg s2  }
0xb0: {  	[dreg:$0x4] =	wrdreg $0x9  }
0xb1: {  	_ =	task.clear_ibuf [dreg:s7], $0x5FFFF;
	_ =	strace $0x90000046  }
0xb2: {  	s29 =	simm.s32 $0x9;
	_ =	strace $0x80000048  }
0xb3: {  	_ =	swait.ge [sflag:s29], $0x1  }
0xb4: {  	[sflag:s29] =	ssyncadd.s32 $0xFFFFFFFF  }
0xb5: {  	_ =	strace $0x90000048  }
0xb6: {  	_ =	sfence  }
0xb7: {  	s30 =	sld [smem:$0x0];
	_ =	sdelay $0x2  }
0xb8: {  	s31 =	sshll.u32 s1, $0xD;
	s1 =	sshrl.u32 s1, $0x2  }
0xb9: {  	s3 =	sand.u32 $0x4000, s31;
	s1 =	sadd.s32 s1, s30  }
0xba: {  	s0 =	sor.u32 s3, s0;
	s1 =	sshll.u32 s1, $0x11  }
0xbb: {  	s0 =	sor.u32 s1, s0  }
0xbc: {  	s0 =	sadd.s32 $0x8F2B, s0  }
0xbd: {  	[sflag:s0] =	ssyncadd.remote.s32 $0x1  }
0xbe: {  	_ =	sfence.sel $0xFFFF  }
0xbf: {  	[dreg:$0x0] =	wrdreg $0xFFFFFFFF;
	(pc) =	sbr.abs _section_cstart, $3  }
0xc0: {  	[dreg:$0x1] =	wrdreg $0xFFFFFFFF  }
0xc1: {  	_ =	task.clear_ibuf [dreg:s7], $0x2FFFF;
	_ =	strace $0x9FFFFFFF  }
0xc2: {  	(tm) =	ssettm $0x7FFFFFFF  }
0xc3: {  	_ =	shalt  }
tec
execute0_lowered:
.L_overlay_start_1:
0x0: {  	(tag) =	ssettag $0x1  }
0x1: {  	s0 =	rddreg [dreg:$0x0]  }
0x2: {  	s1 =	rddreg [dreg:$0x1]  }
0x3: {  	s3 =	srdreg.scid;
	s2 =	simm.s32 $0x0;
	s10 =	stileid.u32  }
0x4: {  	s13 =	simm.s32 $0x380;
	s14 =	simm.s32 $0x1;
	s12 =	simm.s32 $0x70  }
0x5: {  	s28 =	simm.s32 $0x32C0;
	s29 =	simm.s32 $0x1C0;
	s30 =	simm.s32 $0x3900  }
0x6: {  	s31 =	simm.s32 $0x1F8;
	s5 =	sand.u32 $0x1, s3;
	[smem:$0x7FF] =	sst s2  }
0x7: {  	s15 =	sshll.u32 s10, $0xA;
	s3 =	sadd.s32 $0xF42E00, s0;
	s20 =	smul.u32 $0x1C00, s10  }
0x8: {  	s16 =	sadd.s32 $0xA00, s0;
	s24 =	smul.u32 $0x32000, s10;
	s10 =	simm.s32 $0x38  }
0x9: {  	s4 =	sshll.u32 s5, $0x9;
	_ =	strace $0x80000047;
	s22 =	smul.u32 $0xE00, s5  }
0xa: {  	s7 =	ssub.s32 $0x2, s5;
	s5 =	smul.u32 $0x19000, s5;
	s6 =	sor.u32 s4, s15  }
0xb: {  	[dreg:$0xd] =	wrdreg s16;
	s17 =	sshrl.u32 s7, $0x1;
	s8 =	smul.u32 $0x7, s6  }
0xc: {  	s15 =	simm.s32 $0x32;
	s4 =	simm.s32 $0x0;
	s9 =	smul.u32 $0xC8, s6  }
0xd: {  	s0 =	ssub.s32 s7, s17;
	s18 =	smul.u32 $0x640, s6;
	s6 =	sor.u32 $0x40, s6  }
0xe: {  	s17 =	simm.s32 $0x1380;
	s7 =	simm.s32 $0x5;
	[dreg:$0xc] =	wrdreg s4  }
0xf: {  	[dreg:$0x3] =	wrdreg s6;
	s0 =	smax.u32 s0, $0x1;
	s11 =	sadd.s32 s16, s8  }
0x10: {  	s19 =	sadd.s32 s1, s9;
	s23 =	sshrl.u32 s18, $0x3;
	[dreg:$0x9] =	wrdreg s0  }
0x11: {  	s18 =	simm.s32 $0xA8;
	s9 =	simm.s32 $0x6;
	[dreg:$0x6] =	wrdreg s19  }
0x12: {  	s8 =	sadd.s32 $0x70, s11;
	[dreg:$0x4] =	wrdreg s11;
	s21 =	sadd.s32 $0xE0, s11  }
0x13: {  	s6 =	sadd.s32 s1, s23;
	s1 =	sadd.s32 s24, s1;
	s11 =	simm.s32 $0xD40  }
0x14: {  	s19 =	simm.s32 $0x19C0;
	s23 =	simm.s32 $0x2;
	[dreg:$0x5] =	wrdreg s8  }
0x15: {  	s24 =	simm.s32 $0x6B00;
	[dreg:$0x7] =	wrdreg s21;
	s8 =	sadd.s32 s20, s16  }
0x16: {  	s6 =	sadd.s32 $0x18380, s6;
	s1 =	sadd.s32 s5, s1;
	s16 =	simm.s32 $0x700  }
0x17: {  	s20 =	simm.s32 $0xE0;
	s21 =	simm.s32 $0x2000;
	[dreg:$0x8] =	wrdreg s6  }
0x18: {  	s25 =	sadd.s32 s22, s8;
	s0 =	sadd.s32 $0x1900, s1;
	s22 =	simm.s32 $0x118  }
0x19: {  	s1 =	simm.s32 $0x188;
	s6 =	simm.s32 $0x3;
	s8 =	simm.s32 $0x4  }
0x1a: {  	s26 =	sadd.s32 $0x150, s25;
	[dreg:$0xb] =	wrdreg s0;
	s25 =	simm.s32 $0x2640  }
0x1b: {  	s0 =	simm.s32 $0x2C80;
	[dreg:$0xa] =	wrdreg s26;
	s26 =	simm.s32 $0x150  }
.LBB2_1:
0x1c: {  	s5 =	rddreg [dreg:$0x4]  }
0x1d: {  	[tilespmem:s2], [sflag:$0x1] =	stream.linear.gather [hbm4b:s5+s2], $0x380, $0x38;
	[tilespmem:$0xCF00] =	vst v63  }
0x1e: {  	s4 =	rddreg [dreg:$0x5]  }
0x1f: {  	[tilespmem:s13], [sflag:$0x2] =	stream.linear.gather [hbm4b:s4+s2], $0x380, $0x38;
	[tilespmem:$0xCF00] =	vst v63  }
0x20: {  	_ =	swait.ge [sflag:s14], $0x380  }
0x21: {  	[sflag:s14] =	ssyncset.done $0x0  }
0x22: {  	[sflag:s14] =	ssyncadd.s32 $0xFFFFFC80  }
0x23: {  	[tilespmem:s16], [sflag:$0x3] =	stream.indirect.gather [hbm4b:s3+s15], $0x20, s2, s15, $0xb8;
	[tilespmem:$0xCF00] =	vst v63  }
0x24: {  	_ = 	snop  }
0x25: {  	[tilespmem:s11], [sflag:$0x3] =	stream.indirect.gather [hbm4b:s3+s15], $0x20, s10, s15, $0xb8;
	[tilespmem:$0xCF00] =	vst v63  }
0x26: {  	_ = 	snop  }
0x27: {  	[tilespmem:s17], [sflag:$0x3] =	stream.indirect.gather [hbm4b:s3+s15], $0x20, s12, s15, $0xb8;
	[tilespmem:$0xCF00] =	vst v63  }
0x28: {  	_ = 	snop  }
0x29: {  	[tilespmem:s19], [sflag:$0x3] =	stream.indirect.gather [hbm4b:s3+s15], $0x20, s18, s15, $0xb8;
	[tilespmem:$0xCF00] =	vst v63  }
0x2a: {  	_ = 	snop  }
0x2b: {  	[tilespmem:s21], [sflag:$0x3] =	stream.indirect.gather [hbm4b:s3+s15], $0x20, s20, s15, $0xb8;
	[tilespmem:$0xCF00] =	vst v63  }
0x2c: {  	_ = 	snop  }
0x2d: {  	[tilespmem:s25], [sflag:$0x3] =	stream.indirect.gather [hbm4b:s3+s15], $0x20, s22, s15, $0xb8;
	[tilespmem:$0xCF00] =	vst v63  }
0x2e: {  	_ = 	snop  }
0x2f: {  	[tilespmem:s0], [sflag:$0x3] =	stream.indirect.gather [hbm4b:s3+s15], $0x20, s26, s15, $0xb8;
	[tilespmem:$0xCF00] =	vst v63  }
0x30: {  	_ = 	snop  }
0x31: {  	[tilespmem:s28], [sflag:$0x3] =	stream.indirect.gather [hbm4b:s3+s15], $0x20, s1, s15, $0xb8;
	[tilespmem:$0xCF00] =	vst v63  }
0x32: {  	_ = 	snop  }
0x33: {  	[tilespmem:s30], [sflag:$0x3] =	stream.indirect.gather [hbm4b:s3+s15], $0x20, s29, s15, $0xb8;
	[tilespmem:$0xCF00] =	vst v63  }
0x34: {  	s4 =	simm.s32 $0x3F40  }
0x35: {  	[tilespmem:s4], [sflag:$0x3] =	stream.indirect.gather [hbm4b:s3+s15], $0x20, s31, s15, $0xb8;
	[tilespmem:$0xCF00] =	vst v63  }
0x36: {  	s5 =	simm.s32 $0x4580;
	s4 =	simm.s32 $0x230  }
0x37: {  	[tilespmem:s5], [sflag:$0x3] =	stream.indirect.gather [hbm4b:s3+s15], $0x20, s4, s15, $0xb8;
	[tilespmem:$0xCF00] =	vst v63  }
0x38: {  	s4 =	simm.s32 $0x268;
	s5 =	simm.s32 $0x4BC0  }
0x39: {  	[tilespmem:s5], [sflag:$0x3] =	stream.indirect.gather [hbm4b:s3+s15], $0x20, s4, s15, $0xb8;
	[tilespmem:$0xCF00] =	vst v63  }
0x3a: {  	s4 =	simm.s32 $0x2A0;
	s5 =	simm.s32 $0x5200  }
0x3b: {  	[tilespmem:s5], [sflag:$0x3] =	stream.indirect.gather [hbm4b:s3+s15], $0x20, s4, s15, $0xb8;
	[tilespmem:$0xCF00] =	vst v63  }
0x3c: {  	s4 =	simm.s32 $0x2D8;
	s5 =	simm.s32 $0x5840  }
0x3d: {  	[tilespmem:s5], [sflag:$0x3] =	stream.indirect.gather [hbm4b:s3+s15], $0x20, s4, s15, $0xb8;
	[tilespmem:$0xCF00] =	vst v63  }
0x3e: {  	s4 =	simm.s32 $0x310;
	s5 =	simm.s32 $0x5E80  }
0x3f: {  	[tilespmem:s5], [sflag:$0x3] =	stream.indirect.gather [hbm4b:s3+s15], $0x20, s4, s15, $0xb8;
	[tilespmem:$0xCF00] =	vst v63  }
0x40: {  	s4 =	simm.s32 $0x348;
	s5 =	simm.s32 $0x64C0  }
0x41: {  	[tilespmem:s5], [sflag:$0x3] =	stream.indirect.gather [hbm4b:s3+s15], $0x20, s4, s15, $0xb8;
	[tilespmem:$0xCF00] =	vst v63  }
0x42: {  	_ =	swait.ge [sflag:s23], $0x380  }
0x43: {  	[sflag:s23] =	ssyncset.done $0x0  }
0x44: {  	[sflag:s23] =	ssyncadd.s32 $0xFFFFFC80  }
0x45: {  	[tilespmem:s24], [sflag:$0x4] =	stream.indirect.gather [hbm4b:s3+s15], $0x20, s13, s15, $0xb8;
	[tilespmem:$0xCF00] =	vst v63  }
0x46: {  	s4 =	simm.s32 $0x3B8;
	s5 =	simm.s32 $0x7140  }
0x47: {  	[tilespmem:s5], [sflag:$0x4] =	stream.indirect.gather [hbm4b:s3+s15], $0x20, s4, s15, $0xb8;
	[tilespmem:$0xCF00] =	vst v63  }
0x48: {  	s5 =	simm.s32 $0x3F0;
	s4 =	simm.s32 $0x7780  }
0x49: {  	[tilespmem:s4], [sflag:$0x4] =	stream.indirect.gather [hbm4b:s3+s15], $0x20, s5, s15, $0xb8;
	[tilespmem:$0xCF00] =	vst v63  }
0x4a: {  	s5 =	simm.s32 $0x428;
	s4 =	simm.s32 $0x7DC0  }
0x4b: {  	[tilespmem:s4], [sflag:$0x4] =	stream.indirect.gather [hbm4b:s3+s15], $0x20, s5, s15, $0xb8;
	[tilespmem:$0xCF00] =	vst v63  }
0x4c: {  	s5 =	simm.s32 $0x460;
	s4 =	simm.s32 $0x8400  }
0x4d: {  	[tilespmem:s4], [sflag:$0x4] =	stream.indirect.gather [hbm4b:s3+s15], $0x20, s5, s15, $0xb8;
	[tilespmem:$0xCF00] =	vst v63  }
0x4e: {  	s5 =	simm.s32 $0x498;
	s4 =	simm.s32 $0x8A40  }
0x4f: {  	[tilespmem:s4], [sflag:$0x4] =	stream.indirect.gather [hbm4b:s3+s15], $0x20, s5, s15, $0xb8;
	[tilespmem:$0xCF00] =	vst v63  }
0x50: {  	s5 =	simm.s32 $0x4D0;
	s4 =	simm.s32 $0x9080  }
0x51: {  	[tilespmem:s4], [sflag:$0x4] =	stream.indirect.gather [hbm4b:s3+s15], $0x20, s5, s15, $0xb8;
	[tilespmem:$0xCF00] =	vst v63  }
0x52: {  	s5 =	simm.s32 $0x508;
	s4 =	simm.s32 $0x96C0  }
0x53: {  	[tilespmem:s4], [sflag:$0x4] =	stream.indirect.gather [hbm4b:s3+s15], $0x20, s5, s15, $0xb8;
	[tilespmem:$0xCF00] =	vst v63  }
0x54: {  	s5 =	simm.s32 $0x540;
	s4 =	simm.s32 $0x9D00  }
0x55: {  	[tilespmem:s4], [sflag:$0x4] =	stream.indirect.gather [hbm4b:s3+s15], $0x20, s5, s15, $0xb8;
	[tilespmem:$0xCF00] =	vst v63  }
0x56: {  	s5 =	simm.s32 $0x578;
	s4 =	simm.s32 $0xA340  }
0x57: {  	[tilespmem:s4], [sflag:$0x4] =	stream.indirect.gather [hbm4b:s3+s15], $0x20, s5, s15, $0xb8;
	[tilespmem:$0xCF00] =	vst v63  }
0x58: {  	s5 =	simm.s32 $0x5B0;
	s4 =	simm.s32 $0xA980  }
0x59: {  	[tilespmem:s4], [sflag:$0x4] =	stream.indirect.gather [hbm4b:s3+s15], $0x20, s5, s15, $0xb8;
	[tilespmem:$0xCF00] =	vst v63  }
0x5a: {  	s5 =	simm.s32 $0x5E8;
	s4 =	simm.s32 $0xAFC0  }
0x5b: {  	[tilespmem:s4], [sflag:$0x4] =	stream.indirect.gather [hbm4b:s3+s15], $0x20, s5, s15, $0xb8;
	[tilespmem:$0xCF00] =	vst v63  }
0x5c: {  	s5 =	simm.s32 $0x620;
	s4 =	simm.s32 $0xB600  }
0x5d: {  	[tilespmem:s4], [sflag:$0x4] =	stream.indirect.gather [hbm4b:s3+s15], $0x20, s5, s15, $0xb8;
	[tilespmem:$0xCF00] =	vst v63  }
0x5e: {  	s5 =	simm.s32 $0x658;
	s4 =	simm.s32 $0xBC40  }
0x5f: {  	[tilespmem:s4], [sflag:$0x4] =	stream.indirect.gather [hbm4b:s3+s15], $0x20, s5, s15, $0xb8;
	[tilespmem:$0xCF00] =	vst v63  }
0x60: {  	s5 =	simm.s32 $0x690;
	s4 =	simm.s32 $0xC280  }
0x61: {  	[tilespmem:s4], [sflag:$0x4] =	stream.indirect.gather [hbm4b:s3+s15], $0x20, s5, s15, $0xb8;
	[tilespmem:$0xCF00] =	vst v63  }
0x62: {  	s5 =	simm.s32 $0x6C8;
	s4 =	simm.s32 $0xC8C0  }
0x63: {  	[tilespmem:s4], [sflag:$0x4] =	stream.indirect.gather [hbm4b:s3+s15], $0x20, s5, s15, $0xb8;
	[tilespmem:$0xCF00] =	vst v63  }
0x64: {  	_ =	swait.ge [sflag:s6], $0x6400  }
0x65: {  	[sflag:s6] =	ssyncset.done $0x0  }
0x66: {  	s4 =	rddreg [dreg:$0x6];
	[sflag:s6] =	ssyncadd.s32 $0xFFFF9C00  }
0x67: {  	[hbm4b:s4+s2] =	stream.linear.scatter [tilespmem:s16], [sflag:$0x5], $0x6400, $0x38;
	[tilespmem:$0xCF00] =	vst v63  }
0x68: {  	s4 =	rddreg [dreg:$0x7]  }
0x69: {  	[tilespmem:s2], [sflag:$0x1] =	stream.linear.gather [hbm4b:s4+s2], $0x380, $0x38;
	[tilespmem:$0xCF00] =	vst v63  }
0x6a: {  	_ =	swait.ge [sflag:s14], $0x380  }
0x6b: {  	[sflag:s14] =	ssyncset.done $0x0  }
0x6c: {  	[sflag:s14] =	ssyncadd.s32 $0xFFFFFC80  }
0x6d: {  	_ =	swait.ge [sflag:s7], $0x6400  }
0x6e: {  	[sflag:s7] =	ssyncset.done $0x0  }
0x6f: {  	[sflag:s7] =	ssyncadd.s32 $0xFFFF9C00  }
0x70: {  	[tilespmem:s16], [sflag:$0x3] =	stream.indirect.gather [hbm4b:s3+s15], $0x20, s2, s15, $0xb8;
	[tilespmem:$0xCF00] =	vst v63  }
0x71: {  	_ = 	snop  }
0x72: {  	[tilespmem:s11], [sflag:$0x3] =	stream.indirect.gather [hbm4b:s3+s15], $0x20, s10, s15, $0xb8;
	[tilespmem:$0xCF00] =	vst v63  }
0x73: {  	_ = 	snop  }
0x74: {  	[tilespmem:s17], [sflag:$0x3] =	stream.indirect.gather [hbm4b:s3+s15], $0x20, s12, s15, $0xb8;
	[tilespmem:$0xCF00] =	vst v63  }
0x75: {  	_ = 	snop  }
0x76: {  	[tilespmem:s19], [sflag:$0x3] =	stream.indirect.gather [hbm4b:s3+s15], $0x20, s18, s15, $0xb8;
	[tilespmem:$0xCF00] =	vst v63  }
0x77: {  	_ = 	snop  }
0x78: {  	[tilespmem:s21], [sflag:$0x3] =	stream.indirect.gather [hbm4b:s3+s15], $0x20, s20, s15, $0xb8;
	[tilespmem:$0xCF00] =	vst v63  }
0x79: {  	_ = 	snop  }
0x7a: {  	[tilespmem:s25], [sflag:$0x3] =	stream.indirect.gather [hbm4b:s3+s15], $0x20, s22, s15, $0xb8;
	[tilespmem:$0xCF00] =	vst v63  }
0x7b: {  	_ = 	snop  }
0x7c: {  	[tilespmem:s0], [sflag:$0x3] =	stream.indirect.gather [hbm4b:s3+s15], $0x20, s26, s15, $0xb8;
	[tilespmem:$0xCF00] =	vst v63  }
0x7d: {  	_ = 	snop  }
0x7e: {  	[tilespmem:s28], [sflag:$0x3] =	stream.indirect.gather [hbm4b:s3+s15], $0x20, s1, s15, $0xb8;
	[tilespmem:$0xCF00] =	vst v63  }
0x7f: {  	_ = 	snop  }
0x80: {  	[tilespmem:s30], [sflag:$0x3] =	stream.indirect.gather [hbm4b:s3+s15], $0x20, s29, s15, $0xb8;
	[tilespmem:$0xCF00] =	vst v63  }
0x81: {  	s4 =	simm.s32 $0x3F40  }
0x82: {  	[tilespmem:s4], [sflag:$0x3] =	stream.indirect.gather [hbm4b:s3+s15], $0x20, s31, s15, $0xb8;
	[tilespmem:$0xCF00] =	vst v63  }
0x83: {  	s5 =	simm.s32 $0x230;
	s10 =	simm.s32 $0x4580  }
0x84: {  	[tilespmem:s10], [sflag:$0x3] =	stream.indirect.gather [hbm4b:s3+s15], $0x20, s5, s15, $0xb8;
	[tilespmem:$0xCF00] =	vst v63  }
0x85: {  	s11 =	simm.s32 $0x268;
	s12 =	simm.s32 $0x4BC0  }
0x86: {  	[tilespmem:s12], [sflag:$0x3] =	stream.indirect.gather [hbm4b:s3+s15], $0x20, s11, s15, $0xb8;
	[tilespmem:$0xCF00] =	vst v63  }
0x87: {  	s17 =	simm.s32 $0x2A0;
	s18 =	simm.s32 $0x5200  }
0x88: {  	[tilespmem:s18], [sflag:$0x3] =	stream.indirect.gather [hbm4b:s3+s15], $0x20, s17, s15, $0xb8;
	[tilespmem:$0xCF00] =	vst v63  }
0x89: {  	s19 =	simm.s32 $0x2D8;
	s20 =	simm.s32 $0x5840  }
0x8a: {  	[tilespmem:s20], [sflag:$0x3] =	stream.indirect.gather [hbm4b:s3+s15], $0x20, s19, s15, $0xb8;
	[tilespmem:$0xCF00] =	vst v63  }
0x8b: {  	s21 =	simm.s32 $0x310;
	s22 =	simm.s32 $0x5E80  }
0x8c: {  	[tilespmem:s22], [sflag:$0x3] =	stream.indirect.gather [hbm4b:s3+s15], $0x20, s21, s15, $0xb8;
	[tilespmem:$0xCF00] =	vst v63  }
0x8d: {  	s25 =	simm.s32 $0x348;
	s26 =	simm.s32 $0x64C0  }
0x8e: {  	[tilespmem:s26], [sflag:$0x3] =	stream.indirect.gather [hbm4b:s3+s15], $0x20, s25, s15, $0xb8;
	[tilespmem:$0xCF00] =	vst v63  }
0x8f: {  	_ =	swait.ge [sflag:s8], $0x6400  }
0x90: {  	[sflag:s8] =	ssyncset.done $0x0;
	s17 =	rddreg [dreg:$0xb]  }
0x91: {  	[sflag:s8] =	ssyncadd.s32 $0xFFFF9C00;
	s0 =	sadd.s32 $0xFFFFF380, s17  }
0x92: {  	[hbm4b:s0+s2] =	stream.linear.scatter [tilespmem:s24], [sflag:$0x6], $0x6400, $0x38;
	[tilespmem:$0xCF00] =	vst v63  }
0x93: {  	s11 =	rddreg [dreg:$0xa]  }
0x94: {  	[tilespmem:s13], [sflag:$0x2] =	stream.linear.gather [hbm4b:s11+s2], $0x380, $0x38;
	[tilespmem:$0xCF00] =	vst v63  }
0x95: {  	_ =	swait.ge [sflag:s23], $0x380  }
0x96: {  	[sflag:s23] =	ssyncset.done $0x0  }
0x97: {  	[sflag:s23] =	ssyncadd.s32 $0xFFFFFC80  }
0x98: {  	_ =	swait.ge [sflag:s9], $0x6400  }
0x99: {  	[sflag:s9] =	ssyncset.done $0x0  }
0x9a: {  	[sflag:s9] =	ssyncadd.s32 $0xFFFF9C00  }
0x9b: {  	[tilespmem:s24], [sflag:$0x4] =	stream.indirect.gather [hbm4b:s3+s15], $0x20, s13, s15, $0xb8;
	[tilespmem:$0xCF00] =	vst v63  }
0x9c: {  	s1 =	simm.s32 $0x3B8;
	s4 =	simm.s32 $0x7140  }
0x9d: {  	[tilespmem:s4], [sflag:$0x4] =	stream.indirect.gather [hbm4b:s3+s15], $0x20, s1, s15, $0xb8;
	[tilespmem:$0xCF00] =	vst v63  }
0x9e: {  	s5 =	simm.s32 $0x7780;
	s10 =	simm.s32 $0x3F0  }
0x9f: {  	[tilespmem:s5], [sflag:$0x4] =	stream.indirect.gather [hbm4b:s3+s15], $0x20, s10, s15, $0xb8;
	[tilespmem:$0xCF00] =	vst v63  }
0xa0: {  	s12 =	simm.s32 $0x7DC0;
	s18 =	simm.s32 $0x428  }
0xa1: {  	[tilespmem:s12], [sflag:$0x4] =	stream.indirect.gather [hbm4b:s3+s15], $0x20, s18, s15, $0xb8;
	[tilespmem:$0xCF00] =	vst v63  }
0xa2: {  	s19 =	simm.s32 $0x8400;
	s20 =	simm.s32 $0x460  }
0xa3: {  	[tilespmem:s19], [sflag:$0x4] =	stream.indirect.gather [hbm4b:s3+s15], $0x20, s20, s15, $0xb8;
	[tilespmem:$0xCF00] =	vst v63  }
0xa4: {  	s21 =	simm.s32 $0x8A40;
	s22 =	simm.s32 $0x498  }
0xa5: {  	[tilespmem:s21], [sflag:$0x4] =	stream.indirect.gather [hbm4b:s3+s15], $0x20, s22, s15, $0xb8;
	[tilespmem:$0xCF00] =	vst v63  }
0xa6: {  	s28 =	simm.s32 $0xC280;
	s25 =	simm.s32 $0x9080;
	s26 =	simm.s32 $0x4D0  }
0xa7: {  	[tilespmem:s25], [sflag:$0x4] =	stream.indirect.gather [hbm4b:s3+s15], $0x20, s26, s15, $0xb8;
	[tilespmem:$0xCF00] =	vst v63  }
0xa8: {  	s30 =	simm.s32 $0x690;
	s1 =	simm.s32 $0x96C0;
	s4 =	simm.s32 $0x508  }
0xa9: {  	[tilespmem:s1], [sflag:$0x4] =	stream.indirect.gather [hbm4b:s3+s15], $0x20, s4, s15, $0xb8;
	[tilespmem:$0xCF00] =	vst v63  }
0xaa: {  	s29 =	simm.s32 $0x118;
	s5 =	simm.s32 $0x9D00;
	s10 =	simm.s32 $0x540  }
0xab: {  	[tilespmem:s5], [sflag:$0x4] =	stream.indirect.gather [hbm4b:s3+s15], $0x20, s10, s15, $0xb8;
	[tilespmem:$0xCF00] =	vst v63  }
0xac: {  	s31 =	simm.s32 $0x150;
	s12 =	simm.s32 $0xA340;
	s18 =	simm.s32 $0x578  }
0xad: {  	[tilespmem:s12], [sflag:$0x4] =	stream.indirect.gather [hbm4b:s3+s15], $0x20, s18, s15, $0xb8;
	[tilespmem:$0xCF00] =	vst v63  }
0xae: {  	s19 =	simm.s32 $0xA980;
	s20 =	simm.s32 $0x5B0;
	s21 =	simm.s32 $0xAFC0  }
0xaf: {  	[tilespmem:s19], [sflag:$0x4] =	stream.indirect.gather [hbm4b:s3+s15], $0x20, s20, s15, $0xb8;
	[tilespmem:$0xCF00] =	vst v63  }
0xb0: {  	s22 =	simm.s32 $0x5E8;
	s25 =	simm.s32 $0xB600;
	s26 =	simm.s32 $0x620  }
0xb1: {  	[tilespmem:s21], [sflag:$0x4] =	stream.indirect.gather [hbm4b:s3+s15], $0x20, s22, s15, $0xb8;
	[tilespmem:$0xCF00] =	vst v63  }
0xb2: {  	s4 =	simm.s32 $0xBC40;
	s1 =	simm.s32 $0x1F8;
	s5 =	simm.s32 $0x658  }
0xb3: {  	[tilespmem:s25], [sflag:$0x4] =	stream.indirect.gather [hbm4b:s3+s15], $0x20, s26, s15, $0xb8;
	[tilespmem:$0xCF00] =	vst v63  }
0xb4: {  	s10 =	simm.s32 $0xC280;
	s12 =	simm.s32 $0x690;
	s18 =	simm.s32 $0xC8C0  }
0xb5: {  	[tilespmem:s4], [sflag:$0x4] =	stream.indirect.gather [hbm4b:s3+s15], $0x20, s5, s15, $0xb8;
	[tilespmem:$0xCF00] =	vst v63  }
0xb6: {  	s19 =	simm.s32 $0x6C8;
	s21 =	simm.s32 $0x1C0;
	s22 =	simm.s32 $0xA8  }
0xb7: {  	[tilespmem:s10], [sflag:$0x4] =	stream.indirect.gather [hbm4b:s3+s15], $0x20, s12, s15, $0xb8;
	[tilespmem:$0xCF00] =	vst v63  }
0xb8: {  	s25 =	simm.s32 $0xC8C0;
	s26 =	smin.u32 s2, $0x1B;
	s4 =	simm.s32 $0x6C8  }
0xb9: {  	[tilespmem:s18], [sflag:$0x4] =	stream.indirect.gather [hbm4b:s3+s15], $0x20, s19, s15, $0xb8;
	[tilespmem:$0xCF00] =	vst v63  }
0xba: {  	s10 =	sshll.u32 s26, $0x4;
	s26 =	simm.s32 $0xE0;
	_ =	swait.ge [sflag:s6], $0x6400  }
0xbb: {  	s18 =	simm.s32 $0x38;
	s20 =	rddreg [dreg:$0x3];
	[sflag:s6] =	ssyncset.done $0x0  }
0xbc: {  	s19 =	rddreg [dreg:$0xd];
	s5 =	sadd.s32 s10, s20;
	[sflag:s6] =	ssyncadd.s32 $0xFFFF9C00  }
0xbd: {  	s10 =	simm.s32 $0x2;
	s20 =	simm.s32 $0x70;
	s5 =	smul.u32 $0x7, s5  }
0xbe: {  	[hbm4b:s17+s2] =	stream.linear.scatter [tilespmem:s16], [sflag:$0x5], $0x6400, $0x38;
	[tilespmem:$0xCF00] =	vst v63  }
0xbf: {  	s12 =	sadd.s32 s19, s5;
	s5 =	sadd.s32 $0xE0, s11;
	s11 =	sadd.s32 $0x1900, s17  }
.LBB2_2:
0xc0: {  	[tilespmem:s2], [sflag:$0x1] =	stream.linear.gather [hbm4b:s12+s2], $0x380, $0x38;
	[tilespmem:$0xCF00] =	vst v63  }
0xc1: {  	_ =	swait.ge [sflag:s14], $0x380  }
0xc2: {  	[sflag:s14] =	ssyncset.done $0x0  }
0xc3: {  	[sflag:s14] =	ssyncadd.s32 $0xFFFFFC80  }
0xc4: {  	_ =	swait.ge [sflag:s7], $0x6400  }
0xc5: {  	[sflag:s7] =	ssyncset.done $0x0  }
0xc6: {  	[sflag:s7] =	ssyncadd.s32 $0xFFFF9C00  }
0xc7: {  	[tilespmem:s16], [sflag:$0x3] =	stream.indirect.gather [hbm4b:s3+s15], $0x20, s2, s15, $0xb8;
	[tilespmem:$0xCF00] =	vst v63  }
0xc8: {  	s0 =	simm.s32 $0xD40  }
0xc9: {  	[tilespmem:s0], [sflag:$0x3] =	stream.indirect.gather [hbm4b:s3+s15], $0x20, s18, s15, $0xb8;
	[tilespmem:$0xCF00] =	vst v63  }
0xca: {  	s17 =	simm.s32 $0x1380  }
0xcb: {  	[tilespmem:s17], [sflag:$0x3] =	stream.indirect.gather [hbm4b:s3+s15], $0x20, s20, s15, $0xb8;
	[tilespmem:$0xCF00] =	vst v63  }
0xcc: {  	s17 =	simm.s32 $0x19C0  }
0xcd: {  	[tilespmem:s17], [sflag:$0x3] =	stream.indirect.gather [hbm4b:s3+s15], $0x20, s22, s15, $0xb8;
	[tilespmem:$0xCF00] =	vst v63  }
0xce: {  	s17 =	simm.s32 $0x2000  }
0xcf: {  	[tilespmem:s17], [sflag:$0x3] =	stream.indirect.gather [hbm4b:s3+s15], $0x20, s26, s15, $0xb8;
	[tilespmem:$0xCF00] =	vst v63  }
0xd0: {  	s17 =	simm.s32 $0x2640  }
0xd1: {  	[tilespmem:s17], [sflag:$0x3] =	stream.indirect.gather [hbm4b:s3+s15], $0x20, s29, s15, $0xb8;
	[tilespmem:$0xCF00] =	vst v63  }
0xd2: {  	s17 =	simm.s32 $0x2C80  }
0xd3: {  	[tilespmem:s17], [sflag:$0x3] =	stream.indirect.gather [hbm4b:s3+s15], $0x20, s31, s15, $0xb8;
	[tilespmem:$0xCF00] =	vst v63  }
0xd4: {  	s0 =	simm.s32 $0x188;
	s17 =	simm.s32 $0x32C0  }
0xd5: {  	[tilespmem:s17], [sflag:$0x3] =	stream.indirect.gather [hbm4b:s3+s15], $0x20, s0, s15, $0xb8;
	[tilespmem:$0xCF00] =	vst v63  }
0xd6: {  	s17 =	simm.s32 $0x3900  }
0xd7: {  	[tilespmem:s17], [sflag:$0x3] =	stream.indirect.gather [hbm4b:s3+s15], $0x20, s21, s15, $0xb8;
	[tilespmem:$0xCF00] =	vst v63  }
0xd8: {  	s0 =	simm.s32 $0x3F40  }
0xd9: {  	[tilespmem:s0], [sflag:$0x3] =	stream.indirect.gather [hbm4b:s3+s15], $0x20, s1, s15, $0xb8;
	[tilespmem:$0xCF00] =	vst v63  }
0xda: {  	s17 =	simm.s32 $0x230;
	s0 =	simm.s32 $0x4580  }
0xdb: {  	[tilespmem:s0], [sflag:$0x3] =	stream.indirect.gather [hbm4b:s3+s15], $0x20, s17, s15, $0xb8;
	[tilespmem:$0xCF00] =	vst v63  }
0xdc: {  	s0 =	simm.s32 $0x268;
	s17 =	simm.s32 $0x4BC0  }
0xdd: {  	[tilespmem:s17], [sflag:$0x3] =	stream.indirect.gather [hbm4b:s3+s15], $0x20, s0, s15, $0xb8;
	[tilespmem:$0xCF00] =	vst v63  }
0xde: {  	s0 =	simm.s32 $0x2A0;
	s17 =	simm.s32 $0x5200  }
0xdf: {  	[tilespmem:s17], [sflag:$0x3] =	stream.indirect.gather [hbm4b:s3+s15], $0x20, s0, s15, $0xb8;
	[tilespmem:$0xCF00] =	vst v63  }
0xe0: {  	s0 =	simm.s32 $0x2D8;
	s17 =	simm.s32 $0x5840  }
0xe1: {  	[tilespmem:s17], [sflag:$0x3] =	stream.indirect.gather [hbm4b:s3+s15], $0x20, s0, s15, $0xb8;
	[tilespmem:$0xCF00] =	vst v63  }
0xe2: {  	s0 =	simm.s32 $0x310;
	s17 =	simm.s32 $0x5E80  }
0xe3: {  	[tilespmem:s17], [sflag:$0x3] =	stream.indirect.gather [hbm4b:s3+s15], $0x20, s0, s15, $0xb8;
	[tilespmem:$0xCF00] =	vst v63  }
0xe4: {  	s0 =	simm.s32 $0x348;
	s17 =	simm.s32 $0x64C0  }
0xe5: {  	[tilespmem:s17], [sflag:$0x3] =	stream.indirect.gather [hbm4b:s3+s15], $0x20, s0, s15, $0xb8;
	[tilespmem:$0xCF00] =	vst v63  }
0xe6: {  	_ =	swait.ge [sflag:s8], $0x6400  }
0xe7: {  	[sflag:s8] =	ssyncset.done $0x0  }
0xe8: {  	s0 =	sadd.s32 $0xFFFFF380, s11;
	[sflag:s8] =	ssyncadd.s32 $0xFFFF9C00  }
0xe9: {  	[hbm4b:s0+s2] =	stream.linear.scatter [tilespmem:s24], [sflag:$0x6], $0x6400, $0x38;
	[tilespmem:$0xCF00] =	vst v63  }
0xea: {  	_ = 	snop  }
0xeb: {  	[tilespmem:s13], [sflag:$0x2] =	stream.linear.gather [hbm4b:s5+s2], $0x380, $0x38;
	[tilespmem:$0xCF00] =	vst v63  }
0xec: {  	_ =	swait.ge [sflag:s23], $0x380  }
0xed: {  	[sflag:s23] =	ssyncset.done $0x0  }
0xee: {  	[sflag:s23] =	ssyncadd.s32 $0xFFFFFC80  }
0xef: {  	_ =	swait.ge [sflag:s9], $0x6400  }
0xf0: {  	[sflag:s9] =	ssyncset.done $0x0  }
0xf1: {  	[sflag:s9] =	ssyncadd.s32 $0xFFFF9C00  }
0xf2: {  	[tilespmem:s24], [sflag:$0x4] =	stream.indirect.gather [hbm4b:s3+s15], $0x20, s13, s15, $0xb8;
	[tilespmem:$0xCF00] =	vst v63  }
0xf3: {  	s17 =	simm.s32 $0x7140;
	s0 =	simm.s32 $0x3B8  }
0xf4: {  	[tilespmem:s17], [sflag:$0x4] =	stream.indirect.gather [hbm4b:s3+s15], $0x20, s0, s15, $0xb8;
	[tilespmem:$0xCF00] =	vst v63  }
0xf5: {  	s0 =	simm.s32 $0x3F0;
	s17 =	simm.s32 $0x7780  }
0xf6: {  	[tilespmem:s17], [sflag:$0x4] =	stream.indirect.gather [hbm4b:s3+s15], $0x20, s0, s15, $0xb8;
	[tilespmem:$0xCF00] =	vst v63  }
0xf7: {  	s0 =	simm.s32 $0x428;
	s17 =	simm.s32 $0x7DC0  }
0xf8: {  	[tilespmem:s17], [sflag:$0x4] =	stream.indirect.gather [hbm4b:s3+s15], $0x20, s0, s15, $0xb8;
	[tilespmem:$0xCF00] =	vst v63  }
0xf9: {  	s0 =	simm.s32 $0x460;
	s17 =	simm.s32 $0x8400  }
0xfa: {  	[tilespmem:s17], [sflag:$0x4] =	stream.indirect.gather [hbm4b:s3+s15], $0x20, s0, s15, $0xb8;
	[tilespmem:$0xCF00] =	vst v63  }
0xfb: {  	s0 =	simm.s32 $0x498;
	s17 =	simm.s32 $0x8A40  }
0xfc: {  	[tilespmem:s17], [sflag:$0x4] =	stream.indirect.gather [hbm4b:s3+s15], $0x20, s0, s15, $0xb8;
	[tilespmem:$0xCF00] =	vst v63  }
0xfd: {  	s0 =	simm.s32 $0x4D0;
	s17 =	simm.s32 $0x9080  }
0xfe: {  	[tilespmem:s17], [sflag:$0x4] =	stream.indirect.gather [hbm4b:s3+s15], $0x20, s0, s15, $0xb8;
	[tilespmem:$0xCF00] =	vst v63  }
0xff: {  	s0 =	simm.s32 $0x508;
	s17 =	simm.s32 $0x96C0  }
0x100: {  	[tilespmem:s17], [sflag:$0x4] =	stream.indirect.gather [hbm4b:s3+s15], $0x20, s0, s15, $0xb8;
	[tilespmem:$0xCF00] =	vst v63  }
0x101: {  	s0 =	simm.s32 $0x540;
	s17 =	simm.s32 $0x9D00  }
0x102: {  	[tilespmem:s17], [sflag:$0x4] =	stream.indirect.gather [hbm4b:s3+s15], $0x20, s0, s15, $0xb8;
	[tilespmem:$0xCF00] =	vst v63  }
0x103: {  	s0 =	simm.s32 $0x578;
	s17 =	simm.s32 $0xA340  }
0x104: {  	[tilespmem:s17], [sflag:$0x4] =	stream.indirect.gather [hbm4b:s3+s15], $0x20, s0, s15, $0xb8;
	[tilespmem:$0xCF00] =	vst v63  }
0x105: {  	s0 =	simm.s32 $0x5B0;
	s17 =	simm.s32 $0xA980  }
0x106: {  	[tilespmem:s17], [sflag:$0x4] =	stream.indirect.gather [hbm4b:s3+s15], $0x20, s0, s15, $0xb8;
	[tilespmem:$0xCF00] =	vst v63  }
0x107: {  	s0 =	simm.s32 $0x5E8;
	s17 =	simm.s32 $0xAFC0  }
0x108: {  	[tilespmem:s17], [sflag:$0x4] =	stream.indirect.gather [hbm4b:s3+s15], $0x20, s0, s15, $0xb8;
	[tilespmem:$0xCF00] =	vst v63  }
0x109: {  	s0 =	simm.s32 $0x620;
	s17 =	simm.s32 $0xB600  }
0x10a: {  	[tilespmem:s17], [sflag:$0x4] =	stream.indirect.gather [hbm4b:s3+s15], $0x20, s0, s15, $0xb8;
	[tilespmem:$0xCF00] =	vst v63  }
0x10b: {  	s0 =	simm.s32 $0x658;
	s17 =	simm.s32 $0xBC40  }
0x10c: {  	[tilespmem:s17], [sflag:$0x4] =	stream.indirect.gather [hbm4b:s3+s15], $0x20, s0, s15, $0xb8;
	[tilespmem:$0xCF00] =	vst v63  }
0x10d: {  	_ = 	snop  }
0x10e: {  	[tilespmem:s28], [sflag:$0x4] =	stream.indirect.gather [hbm4b:s3+s15], $0x20, s30, s15, $0xb8;
	[tilespmem:$0xCF00] =	vst v63  }
0x10f: {  	s12 =	smov.u32 s10  }
0x110: {  	[tilespmem:s25], [sflag:$0x4] =	stream.indirect.gather [hbm4b:s3+s15], $0x20, s4, s15, $0xb8;
	[tilespmem:$0xCF00] =	vst v63  }
0x111: {  	p0 =	sne.s32 s10, $0x1C;
	s12 =	smin.u32 s12, $0x1B;
	_ =	swait.ge [sflag:s6], $0x6400  }
.Ltmp0:
0x112: {  	s12 =	sshll.u32 s12, $0x4;
	s0 =	rddreg [dreg:$0x3];
	(pc) =	sbr.rel @p0 .LBB2_2-.Ltmp0, $4  }
0x113: {  	[sflag:s6] =	ssyncset.done $0x0;
	s12 =	sadd.s32 s12, s0  }
0x114: {  	s10 =	sadd.s32 $0x2, s10;
	[sflag:s6] =	ssyncadd.s32 $0xFFFF9C00;
	s12 =	smul.u32 $0x7, s12  }
0x115: {  	[hbm4b:s11+s2] =	stream.linear.scatter [tilespmem:s16], [sflag:$0x5], $0x6400, $0x38;
	[tilespmem:$0xCF00] =	vst v63  }
0x116: {  	s5 =	sadd.s32 $0xE0, s5;
	s11 =	sadd.s32 $0x1900, s11;
	s12 =	sadd.s32 s19, s12  }
0x117: {  	[tilespmem:s2], [sflag:$0x1] =	stream.linear.gather [hbm4b:s12+s2], $0x380, $0x38;
	[tilespmem:$0xCF00] =	vst v63  }
0x118: {  	_ =	swait.ge [sflag:s8], $0x6400  }
0x119: {  	[sflag:s8] =	ssyncset.done $0x0  }
0x11a: {  	s5 =	rddreg [dreg:$0x8];
	[sflag:s8] =	ssyncadd.s32 $0xFFFF9C00  }
0x11b: {  	[hbm4b:s5+s2] =	stream.linear.scatter [tilespmem:s24], [sflag:$0x6], $0x6400, $0x38;
	[tilespmem:$0xCF00] =	vst v63  }
0x11c: {  	_ =	swait.ge [sflag:s14], $0x380  }
0x11d: {  	[sflag:s14] =	ssyncset.done $0x0  }
0x11e: {  	[sflag:s14] =	ssyncadd.s32 $0xFFFFFC80  }
0x11f: {  	_ =	swait.ge [sflag:s7], $0x6400  }
0x120: {  	[sflag:s7] =	ssyncset.done $0x0  }
0x121: {  	[sflag:s7] =	ssyncadd.s32 $0xFFFF9C00  }
0x122: {  	s10 =	simm.s32 $0x38;
	_ =	swait.ge [sflag:s9], $0x6400  }
0x123: {  	s11 =	simm.s32 $0xD40;
	s12 =	simm.s32 $0x70;
	s0 =	rddreg [dreg:$0xc]  }
0x124: {  	s17 =	simm.s32 $0x1380;
	s26 =	rddreg [dreg:$0x9];
	s0 =	sadd.s32 $0x1, s0  }
0x125: {  	s18 =	simm.s32 $0xA8;
	s19 =	simm.s32 $0x19C0;
	p0 =	sne.s32 s0, s26  }
.Ltmp1:
0x126: {  	s20 =	simm.s32 $0xE0;
	s21 =	simm.s32 $0x2000;
	(pc) =	sbr.rel @p0 .LBB2_1-.Ltmp1, $4  }
0x127: {  	s22 =	simm.s32 $0x118;
	s25 =	simm.s32 $0x2640;
	s1 =	simm.s32 $0x188  }
0x128: {  	s28 =	simm.s32 $0x32C0;
	s29 =	simm.s32 $0x1C0;
	[sflag:s9] =	ssyncset.done $0x0  }
0x129: {  	s30 =	simm.s32 $0x3900;
	s31 =	simm.s32 $0x1F8;
	[sflag:s9] =	ssyncadd.s32 $0xFFFF9C00  }
0x12a: {  	[dreg:$0xc] =	wrdreg s0;
	s26 =	simm.s32 $0x150;
	s0 =	simm.s32 $0x2C80  }
0x12b: {  	_ =	sfence.sel $0x180000  }
0x12c: {  	[bflag:$0x0] =	sbarrier.arrive $0xFFFF  }
0x12d: {  	_ =	strace $0x90000047  }
0x12e: {  	s0 =	stileid.u32;
	[bflag:$0x2] =	sbarrier.arrive $0xFFFF  }
0x12f: {  	p0 =	sne.s32 s0, $0x0;
	s0 =	rddreg [dreg:$0x2]  }
0x130: {  	s0 =	sadd.s32 @!p0 $0x100000, s0  }
0x131: {  	[sflag:s0] =	ssyncadd.tile.s32 @!p0 $0x1;
	_ =	shalt  }
.Lfunc_end2:
_tile_overlayer_lowered:
.L_overlay_start_2:
0x132: {  	(tag) =	ssettag $0x2  }
0x133: {  	s0 =	rddreg [dreg:$0x0];
	s2 =	stileid.u32  }
0x134: {  	s1 =	rddreg [dreg:$0x1];
	p0 =	sne.s32 s2, $0x0  }
0x135: {  	s3 =	rddreg [dreg:$0x2];
	[bflag:$0x3] =	sbarrier.arrive $0xFFFF;
	s2 =	simm.s32 @!p0 $0x1C07  }
0x136: {  	[timem:s3], [sflag:s2] =	dma.local @!p0 [hbm:s0], s1  }
0x137: {  	s0 =	simm.s32 @!p0 $0x7  }
0x138: {  	_ =	swait.ge @!p0 [sflag:s0], s1  }
0x139: {  	s1 =	ssub.s32 @!p0 $0x0, s1;
	[sflag:s0] =	ssyncset.done @!p0 $0x0  }
0x13a: {  	[sflag:s0] =	ssyncadd.s32 @!p0 s1  }
0x13b: {  	[bflag:$0x3] =	sbarrier.arrive $0xFFFF  }
0x13c: {  	_ =	shalt  }

// kernel: sparse-core-data-format-call.cloned.1.call-start
scs
called_computation_lowered:
.L_overlay_start_0:
0x0: {  	s2 =	sld [smem:$0x3FD9]  }
0x1: {  	s3 =	sld [smem:$0x3FFE];
	_ =	sdelay $0x1  }
0x2: {  	s1 =	srdreg.scid  }
0x3: {  	s0 =	sand.u32 $0x1, s1  }
0x4: {  	s18 =	sshll.u32 s0, $0xA;
	s2 =	sadd.s32 s3, s2  }
0x5: {  	s2 =	sadd.s32 s2, s18  }
0x6: {  	[smem:$0x3FC6] =	sst s2  }
0x7: {  	_ = 	snop  }
0x8: {  	s2 =	sld [smem:$0x3FD0];
	(tm) =	ssettm $0x1  }
0x9: {  	s19 =	sld [smem:$0x3FFB];
	_ =	sdelay $0x3  }
0xa: {  	_ =	strace s19  }
0xb: {  	s3 =	sld [smem:$0x3FFC];
	_ =	sdelay $0x3  }
0xc: {  	_ =	strace s3  }
0xd: {  	s3 =	sld [smem:$0x3FFD];
	_ =	sdelay $0x3  }
0xe: {  	_ =	strace s3  }
0xf: {  	_ =	strace $0x8FFFFFFF  }
0x10: {  	s20 =	sld [smem:$0x3FDB];
	_ =	sdelay $0x1  }
0x11: {  	s4 =	simm.s32 $_scs_section_size  }
0x12: {  	s5 =	simm.s32 $_size__tile_overlayer_lowered;
	s6 =	simm.s32 $_tile_overlayer_lowered  }
0x13: {  	s23 =	simm.s32 $0x1BFF;
	s22 =	sshll.u32 s6, $0x1;
	s3 =	sadd.s32 s4, s20  }
0x14: {  	s7 =	simm.s32 $0x0;
	s21 =	sshll.u32 s5, $0x1;
	s5 =	sadd.s32 s22, s3  }
0x15: {  	[timem:s7], [sflag:s23] =	dma.local [hbm:s5], s21  }
0x16: {  	_ =	swait.ge [sflag:s23], s21  }
0x17: {  	s4 =	ssub.s32 $0x0, s21;
	[sflag:s23] =	ssyncset.done $0x0  }
0x18: {  	[sflag:s23] =	ssyncadd.s32 s4;
	_ =	sdelay $0x1  }
0x19: {  	s24 =	simm.s32 $0x1B8B  }
0x1a: {  	_ =	swait.ge [sflag:s24], $0x1  }
0x1b: {  	[sflag:s24] =	ssyncset.done $0x0  }
0x1c: {  	s26 =	simm.s32 $0x1B8E;
	s25 =	sld [smem:$0x3FFE];
	[sflag:s24] =	ssyncadd.s32 $0xFFFFFFFF  }
0x1d: {  	s27 =	simm.s32 $execute0_lowered;
	[smem:$0x3FD2] =	sst s26  }
0x1e: {  	s5 =	sshll.u32 s27, $0x1;
	_ =	strace $0x80000049;
	[dreg:$0x1] =	wrdreg $0xFFFFFFFF  }
0x1f: {  	s28 =	simm.s32 $_size_execute0_lowered;
	s3 =	sadd.s32 s3, s5;
	[dreg:$0x0] =	wrdreg $0x0  }
0x20: {  	s5 =	sshll.u32 s28, $0x1;
	[dreg:$0x2] =	wrdreg s3  }
0x21: {  	[dreg:$0x3] =	wrdreg s5  }
0x22: {  	[dreg:$0x4] =	wrdreg $0xC0  }
0x23: {  	_ =	task [dreg:s7], $0x5FFFF  }
0x24: {  	[dreg:$0x1] =	wrdreg $0xFFFFFFFF  }
0x25: {  	[dreg:$0x0] =	wrdreg $0x60  }
0x26: {  	[dreg:$0x2] =	wrdreg s25  }
0x27: {  	[dreg:$0x3] =	wrdreg s2  }
0x28: {  	[dreg:$0x4] =	wrdreg $0x9  }
0x29: {  	_ =	task.clear_ibuf [dreg:s7], $0x5FFFF;
	_ =	strace $0x90000049  }
0x2a: {  	s29 =	simm.s32 $0x9;
	_ =	strace $0x8000004B  }
0x2b: {  	_ =	swait.ge [sflag:s29], $0x1  }
0x2c: {  	[sflag:s29] =	ssyncadd.s32 $0xFFFFFFFF  }
0x2d: {  	_ =	strace $0x9000004B  }
0x2e: {  	_ =	sfence  }
0x2f: {  	s30 =	sld [smem:$0x0];
	_ =	sdelay $0x2  }
0x30: {  	s31 =	sshll.u32 s1, $0xD;
	s1 =	sshrl.u32 s1, $0x2  }
0x31: {  	s3 =	sand.u32 $0x4000, s31;
	s1 =	sadd.s32 s1, s30  }
0x32: {  	s0 =	sor.u32 s3, s0;
	s1 =	sshll.u32 s1, $0x11  }
0x33: {  	s0 =	sor.u32 s1, s0  }
0x34: {  	s0 =	sadd.s32 $0x8F2B, s0  }
0x35: {  	[sflag:s0] =	ssyncadd.remote.s32 $0x1  }
0x36: {  	_ =	sfence.sel $0xFFFF  }
0x37: {  	[dreg:$0x0] =	wrdreg $0xFFFFFFFF;
	(pc) =	sbr.abs _section_cstart, $3  }
0x38: {  	[dreg:$0x1] =	wrdreg $0xFFFFFFFF  }
0x39: {  	_ =	task.clear_ibuf [dreg:s7], $0x2FFFF;
	_ =	strace $0x9FFFFFFF  }
0x3a: {  	(tm) =	ssettm $0x7FFFFFFF  }
0x3b: {  	_ =	shalt  }
tec
execute0_lowered:
.L_overlay_start_1:
0x0: {  	(tag) =	ssettag $0x1  }
0x1: {  	s0 =	srdreg.scid  }
0x2: {  	s1 =	sshll.u32 s0, $0x4  }
0x3: {  	s0 =	stileid.u32;
	s1 =	sand.u32 $0x10, s1  }
0x4: {  	s1 =	sor.u32 s0, s1  }
0x5: {  	s6 =	rddreg [dreg:$0x0];
	s4 =	simm.s32 $0x1;
	s2 =	sshll.u32 s1, $0x7  }
0x6: {  	s7 =	simm.s32 $0x2;
	s12 =	simm.s32 $0x0;
	s1 =	ssub.s32 $0x4000, s2  }
0x7: {  	s8 =	simm.s32 $0x20000;
	s13 =	simm.s32 $0x0;
	s3 =	sand.u32 $0xF80, s1  }
0x8: {  	s9 =	simm.s32 $0x0;
	s5 =	sshrl.u32 s1, $0xC;
	p0 =	sne.s32 s3, $0x0  }
.Ltmp0:
0x9: {  	s1 =	rddreg [dreg:$0x2];
	s4 =	simm.s32 @!p0 $0x0;
	(pc) =	sbr.rel .LBB1_1-.Ltmp0, $4  }
0xa: {  	s11 =	simm.s32 $0x0;
	s3 =	rddreg [dreg:$0x1];
	s5 =	sadd.s32 s4, s5  }
0xb: {  	_ =	strace $0x8000004A;
	s4 =	simm.s32 $0x1;
	s5 =	smul.u32 $0x32, s5  }
0xc: {  	s6 =	sadd.s32 $0xA00, s6;
	s10 =	smov.u32 s2;
	[sflag:s4] =	ssyncpa.u1 $0x0  }
0xd: {  	p0 =	por $0x0, $0x0;
	[sflag:s7] =	ssyncpa.u1 $0x0;
	s7 =	sor.u32 $0x1, s5  }
.LBB1_4:
0xe: {  	s16 =	sshll.u32 s13, $0x3;
	s17 =	sand.u32 $0x78, s13  }
0xf: {  	s30 =	sand.u32 $0xF800, s13;
	s12 =	sshll.u32 s12, $0x10;
	s16 =	sand.u32 $0x3C00, s16  }
0x10: {  	s31 =	sand.u32 $0x7, s13;
	s16 =	sor.u32 s17, s16;
	s17 =	sadd.s32 s3, s30  }
0x11: {  	s13 =	sshll.u32 s31, $0x12;
	s16 =	sshrl.u32 s16, $0x3;
	s12 =	sadd.s32 s12, s17  }
0x12: {  	[tilespmem:s15+$0x0 ss:$0x81] =	vst.msk $0xffff, v0;
	s13 =	sor.u32 $0x400, s13;
	s12 =	sadd.s32 s16, s12  }
0x13: {  	[hbm4b:s12+s13] =	stream.strided.scatter [tilespmem:s14], [sflag:$0x2], $0x1000, s8, s13, $0x20;
	[tilespmem:$0x4040] =	vst v63  }
.LBB1_5:
0x14: {  	s14 =	sadd.s32 $0x1, s9  }
0x15: {  	s12 =	sadd.s32 $0x1000, s10;
	s16 =	smov.u32 s10;
	p2 =	sgt.s32 s14, $0x31  }
0x16: {  	s16 =	smov.u32 @p2 s12  }
0x17: {  	s14 =	simm.s32 @p2 $0x0;
	p2 =	sgt.s32 s16, $0x3FFF  }
0x18: {  	s16 =	smov.u32 @p2 s2;
	p2 =	sne.s32 s11, s7  }
.Ltmp1:
0x19: {  	p1 =	slt.u32 s11, $0x2;
	(pc) =	sbr.rel @!p2 .LBB1_6-.Ltmp1, $4  }
0x1a: {  	s15 =	simm.s32 @!p1 $0x2  }
0x1b: {  	s13 =	smov.u32 s10;
	p0 =	por !p0, !p0;
	_ =	swait.ge @!p1 [sflag:s15], $0x1000  }
0x1c: {  	s12 =	smov.u32 s9;
	[sflag:s15] =	ssyncset.done @!p1 $0x0;
	s9 =	smov.u32 s14  }
0x1d: {  	s11 =	sadd.s32 $0x1, s11;
	[sflag:s15] =	ssyncadd.s32 @!p1 $0xFFFFF000;
	s10 =	smov.u32 s16  }
.LBB1_1:
0x1e: {  	p1 =	sge.u32 s11, s5  }
0x1f: {  	s14 =	sand.u32 @!p1 $0x1FFFFFF, s9  }
0x20: {  	s15 =	smulhi.u32 @!p1 $0x4924925, s14;
	_ =	sdelay $0x1  }
0x21: {  	s15 =	smul.u32 @!p1 $0x38, s15  }
0x22: {  	s16 =	sxor.u32 @!p1 $0xFFFFFFFF, s11;
	s17 =	smul.u32 @!p1 $0x380, s10  }
0x23: {  	s31 =	sadd.s32 $0xFFFFFFFF, s11;
	s16 =	sshll.u32 @!p1 s16, $0xC;
	s14 =	ssub.s32 @!p1 s14, s15  }
0x24: {  	s15 =	sand.u32 @!p1 $0x1000, s16;
	s16 =	sadd.s32 @!p1 s6, s17;
	s14 =	sshll.u32 @!p1 s14, $0x4  }
0x25: {  	s17 =	simm.s32 @!p1 $0x1C00;
	s14 =	sadd.s32 @!p1 s14, s16;
	s16 =	simm.s32 @!p1 $0x20  }
0x26: {  	[tilespmem:s15], [sflag:$0x1] =	stream.strided.gather @!p1 [hbm4b:s14+s16], $0x1000, s17, s16, $0x38;
	[tilespmem:$0x4040] =	vst v63  }
0x27: {  	p1 =	sge.u32 s31, s5  }
.Ltmp2:
0x28: {  	_ = 	snop;
	(pc) =	sbr.rel @p1 .LBB1_5-.Ltmp2, $1  }
0x29: {  	_ =	sdelay $0x3  }
0x2a: {  	s14 =	simm.s32 $0x1  }
0x2b: {  	_ =	swait.ge [sflag:s4], $0x1000;
	s14 =	simm.s32 @!p0 $0x0  }
0x2c: {  	[sflag:s4] =	ssyncset.done $0x0;
	s15 =	sshll.u32 s14, $0xC  }
0x2d: {  	[sflag:s4] =	ssyncadd.s32 $0xFFFFF000;
	s18 =	sor.u32 $0x10, s15  }
0x2e: {  	s14 =	smul.u32 $0x4080, s14;
	v1 =	vld [tilespmem:s18+$0x0]  }
0x2f: {  	s30 =	sand.u32 $0x1, s11;
	v0 =	vld [tilespmem:s18+$0xFFFFFFF0]  }
0x30: {  	s15 =	smul.u32 $0x4080, s30;
	s14 =	sshrl.u32 s14, $0x2  }
0x31: {  	s16 =	sor.u32 $0x2000, s14  }
0x32: {  	s31 =	sshrl.u32 s15, $0x2;
	s15 =	sadd.s32 $0x0, s16  }
0x33: {  	s17 =	simm.s32 $0x4;
	s18 =	sadd.s32 $0x20, s18;
	s14 =	sor.u32 $0x2000, s31;
	[tilespmem:s15+$0x810 ss:$0x81] =	vst.msk $0xffff, v1  }
.LBB1_3:
0x34: {  	v1 =	vld [tilespmem:s18+$0x0];
	p1 =	sne.s32 s17, $0x1FC;
	[tilespmem:s15+$0x0 ss:$0x81] =	vst.msk $0xffff, v0;
	s15 =	smov.u32 s17;
	s17 =	sadd.s32 $0x4, s17  }
.Ltmp3:
0x35: {  	v0 =	vld [tilespmem:s18+$0xFFFFFFF0];
	(pc) =	sbr.rel @p1 .LBB1_3-.Ltmp3, $4  }
0x36: {  	_ = 	snop  }
0x37: {  	s15 =	sshra.s32 s15, $0x2  }
0x38: {  	s15 =	sadd.s32 s15, s16  }
0x39: {  	s18 =	sadd.s32 $0x20, s18;
	[tilespmem:s15+$0x810 ss:$0x81] =	vst.msk $0xffff, v1  }
.Ltmp4:
0x3a: {  	_ = 	snop;
	(pc) =	sbr.rel .LBB1_4-.Ltmp4, $1  }
0x3b: {  	_ =	sdelay $0x3  }
.LBB1_6:
0x3c: {  	_ =	sfence.sel $0x180000  }
0x3d: {  	s2 =	simm.s32 $0x1;
	[bflag:$0x0] =	sbarrier.arrive $0xFFFF  }
0x3e: {  	s31 =	simm.s32 $0x2;
	[sflag:s2] =	ssyncpa.u1 $0x1  }
0x3f: {  	[sflag:s31] =	ssyncpa.u1 $0x1  }
0x40: {  	p0 =	sne.s32 s0, $0x0;
	_ =	strace $0x9000004A  }
0x41: {  	s0 =	sadd.s32 @!p0 $0x100000, s1;
	[bflag:$0x2] =	sbarrier.arrive $0xFFFF  }
0x42: {  	[sflag:s0] =	ssyncadd.tile.s32 @!p0 $0x1;
	_ =	shalt  }
.Lfunc_end1:
_tile_overlayer_lowered:
.L_overlay_start_2:
0x43: {  	(tag) =	ssettag $0x2  }
0x44: {  	s0 =	rddreg [dreg:$0x0];
	s2 =	stileid.u32  }
0x45: {  	s1 =	rddreg [dreg:$0x1];
	p0 =	sne.s32 s2, $0x0  }
0x46: {  	s3 =	rddreg [dreg:$0x2];
	[bflag:$0x3] =	sbarrier.arrive $0xFFFF;
	s2 =	simm.s32 @!p0 $0x1C01  }
0x47: {  	[timem:s3], [sflag:s2] =	dma.local @!p0 [hbm:s0], s1  }
0x48: {  	s0 =	simm.s32 @!p0 $0x1  }
0x49: {  	_ =	swait.ge @!p0 [sflag:s0], s1  }
0x4a: {  	s1 =	ssub.s32 @!p0 $0x0, s1;
	[sflag:s0] =	ssyncset.done @!p0 $0x0  }
0x4b: {  	[sflag:s0] =	ssyncadd.s32 @!p0 s1  }
0x4c: {  	[bflag:$0x3] =	sbarrier.arrive $0xFFFF  }
0x4d: {  	_ =	shalt  }

</sc_bundles>
